<compile_context>
chip_gen: v7x
topology: tpu7x:2x2x1
jax: 0.10.2.dev20260603
libtpu: 0.0.44.dev20260713+nightly
codegen_flags: <defaults>
</compile_context>

<pallas_src>
import functools

import jax
import jax.numpy as jnp
from jax import lax
from jax.experimental import pallas as pl
from jax.experimental.pallas import tpu as pltpu
from jax.experimental.pallas import tpu_sc as plsc

N = 10000
H = 128
NLAYERS = 3
BR = 400
NBLK = N // BR

NW = 32
CHUNK = 128
NCH = 80
EPT = CHUNK * NCH
EPAD = NW * EPT
R = 10240
RPT = R // 16



def _dot(a, w):
  return lax.dot_general(a, w, (((1,), (1,)), ((), ())),
                         preferred_element_type=jnp.float32)


def _dotn(a, w):
  return lax.dot_general(a, w, (((1,), (0,)), ((), ())),
                         preferred_element_type=jnp.float32)


def _pre(h, gw_ref, whh_ref, bhh_ref, m_ref, gh_ref):
  m_ref[...] = _dotn(h, gw_ref[...])
  gh_ref[...] = _dot(h, whh_ref[...]) + bhh_ref[...]


def _gru(a0_ref, a1_ref, h_ref, gh_ref, wih_ref, bih_ref):
  agg = a0_ref[...] + a1_ref[...]
  gi = _dot(agg, wih_ref[...]) + bih_ref[...]
  gh = gh_ref[...]
  h = h_ref[...]
  r = jax.nn.sigmoid(gi[:, :H] + gh[:, :H])
  z = jax.nn.sigmoid(gi[:, H:2 * H] + gh[:, H:2 * H])
  n = jnp.tanh(gi[:, 2 * H:] + r * gh[:, 2 * H:])
  return (1.0 - z) * n + z * h


def _inpre_body(x_ref, w_ref, b_ref, gw_ref, whh_ref, bhh_ref,
                h_ref, m_ref, gh_ref):
  h = jnp.maximum(_dot(x_ref[...], w_ref[...]) + b_ref[...], 0.0)
  h_ref[...] = h
  _pre(h, gw_ref, whh_ref, bhh_ref, m_ref, gh_ref)


def _postpre_body(a0_ref, a1_ref, h_ref, gh_ref, wih_ref, bih_ref,
                  gw_ref, whh_ref, bhh_ref, ho_ref, m_ref, gho_ref):
  hn = _gru(a0_ref, a1_ref, h_ref, gh_ref, wih_ref, bih_ref)
  ho_ref[...] = hn
  _pre(hn, gw_ref, whh_ref, bhh_ref, m_ref, gho_ref)


def _postout_body(a0_ref, a1_ref, h_ref, gh_ref, wih_ref, bih_ref,
                  w_ref, b_ref, o_ref):
  hn = jnp.maximum(_gru(a0_ref, a1_ref, h_ref, gh_ref, wih_ref, bih_ref), 0.0)
  o_ref[...] = jnp.maximum(_dot(hn, w_ref[...]) + b_ref[...], 0.0)


def _row_spec(cols):
  return pl.BlockSpec((BR, cols), lambda i: (i, 0))


def _full_spec(shape):
  return pl.BlockSpec(shape, lambda i: tuple(0 for _ in shape))



def _make_sc_scatter():
  mesh = plsc.VectorSubcoreMesh(core_axis_name="c", subcore_axis_name="s")

  @functools.partial(
      pl.kernel,
      out_type=jax.ShapeDtypeStruct((2, R, H), jnp.float32),
      mesh=mesh,
      scratch_types=[
          pltpu.VMEM((NCH, CHUNK), jnp.int32),
          pltpu.VMEM((NCH, CHUNK), jnp.int32),
          pltpu.VMEM((CHUNK, H), jnp.float32),
          pltpu.VMEM_SHARED((R, H), jnp.float32),
          pltpu.SemaphoreType.DMA,
      ],
  )
  def sc_scatter(m_hbm, src_hbm, dst_hbm, z_hbm, out_hbm,
                 src_v, dst_v, rows_v, agg_sh, sem):
    c = lax.axis_index("c")
    s = lax.axis_index("s")
    wid = s * 2 + c

    for k in range(RPT // CHUNK):
      pltpu.sync_copy(z_hbm, agg_sh.at[pl.ds(s * RPT + k * CHUNK, CHUNK)])
    plsc.subcore_barrier()

    pltpu.sync_copy(src_hbm.at[pl.ds(wid * NCH, NCH)], src_v)
    pltpu.sync_copy(dst_hbm.at[pl.ds(wid * NCH, NCH)], dst_v)

    def body(j, carry):
      pltpu.async_copy(m_hbm.at[src_v.at[j]], rows_v, sem).wait()
      pltpu.sync_copy(rows_v, agg_sh.at[dst_v.at[j]], add=True)
      return carry

    lax.fori_loop(0, NCH, body, 0)
    plsc.subcore_barrier()

    for k in range(RPT // CHUNK):
      r0 = s * RPT + k * CHUNK
      pltpu.sync_copy(agg_sh.at[pl.ds(r0, CHUNK)],
                      out_hbm.at[c, pl.ds(r0, CHUNK)])

  return sc_scatter


_make_sc_scatter = functools.cache(_make_sc_scatter)



def kernel(x, edge_index, W_in, b_in, ggnn_w, w_ih, w_hh, b_ih, b_hh,
           W_out, b_out):
  B = x.shape[0]
  xs = x.reshape(B * N, x.shape[2])
  src = edge_index[0]
  dst = edge_index[1]
  E = src.shape[0]
  pad = EPAD - E
  src_p = jnp.concatenate([src, jnp.zeros((pad,), jnp.int32)]).reshape(-1, CHUNK)
  dst_p = jnp.concatenate([dst, jnp.full((pad,), R - 1, jnp.int32)]).reshape(-1, CHUNK)
  z128 = jnp.zeros((CHUNK, H), jnp.float32)

  b_in2 = b_in.reshape(1, H)
  b_ih2 = b_ih.reshape(1, 3 * H)
  b_hh2 = b_hh.reshape(1, 3 * H)
  b_out2 = b_out.reshape(1, H)

  h, m, gh = pl.pallas_call(
      _inpre_body,
      grid=(NBLK,),
      in_specs=[_row_spec(H), _full_spec((H, H)), _full_spec((1, H)),
                _full_spec((H, H)), _full_spec((3 * H, H)),
                _full_spec((1, 3 * H))],
      out_specs=[_row_spec(H), _row_spec(H), _row_spec(3 * H)],
      out_shape=[jax.ShapeDtypeStruct((N, H), jnp.float32),
                 jax.ShapeDtypeStruct((N, H), jnp.float32),
                 jax.ShapeDtypeStruct((N, 3 * H), jnp.float32)],
  )(xs, W_in, b_in2, ggnn_w[0], w_hh, b_hh2)

  for i in range(NLAYERS - 1):
    aggs = _make_sc_scatter()(m, src_p, dst_p, z128)
    h, m, gh = pl.pallas_call(
        _postpre_body,
        grid=(NBLK,),
        in_specs=[_row_spec(H), _row_spec(H), _row_spec(H), _row_spec(3 * H),
                  _full_spec((3 * H, H)), _full_spec((1, 3 * H)),
                  _full_spec((H, H)), _full_spec((3 * H, H)),
                  _full_spec((1, 3 * H))],
        out_specs=[_row_spec(H), _row_spec(H), _row_spec(3 * H)],
        out_shape=[jax.ShapeDtypeStruct((N, H), jnp.float32),
                   jax.ShapeDtypeStruct((N, H), jnp.float32),
                   jax.ShapeDtypeStruct((N, 3 * H), jnp.float32)],
    )(aggs[0], aggs[1], h, gh, w_ih, b_ih2, ggnn_w[i + 1], w_hh, b_hh2)

  aggs = _make_sc_scatter()(m, src_p, dst_p, z128)
  out = pl.pallas_call(
      _postout_body,
      grid=(NBLK,),
      in_specs=[_row_spec(H), _row_spec(H), _row_spec(H), _row_spec(3 * H),
                _full_spec((3 * H, H)), _full_spec((1, 3 * H)),
                _full_spec((H, H)), _full_spec((1, H))],
      out_specs=_row_spec(H),
      out_shape=jax.ShapeDtypeStruct((N, H), jnp.float32),
  )(aggs[0], aggs[1], h, gh, w_ih, b_ih2, W_out, b_out2)

  return out.reshape(B, N, H)

# --- scband reference (transcript-rebuilt; emitter-appended) ---
"""Pipeline reference for scband-ggnnencoder-55508157333633 (READ-ONLY COPY).

The authoritative reference and input builder live on the scoring server;
editing this copy changes nothing except your own understanding.
"""

import jax, jax.numpy as jnp
import numpy as np

NUM_LAYERS = 3

def setup_inputs(seed: int = 0):
    key = jax.random.key(seed)
    ks = jax.random.split(key, 11)
    B, N, C, H, O, E = 1, 10000, 128, 128, 128, 320000
    s = 0.05
    return {
        "x": jax.random.normal(ks[0], (B, N, C), dtype=jnp.float32),
        "edge_index": jax.random.randint(ks[1], (2, E), 0, N, dtype=jnp.int32),
        "W_in": jax.random.normal(ks[2], (H, C), dtype=jnp.float32) * s,
        "b_in": jnp.zeros((H,), dtype=jnp.float32),
        "ggnn_w": jax.random.normal(ks[3], (NUM_LAYERS, H, H), dtype=jnp.float32) * s,
        "w_ih": jax.random.normal(ks[4], (3 * H, H), dtype=jnp.float32) * s,
        "w_hh": jax.random.normal(ks[5], (3 * H, H), dtype=jnp.float32) * s,
        "b_ih": jnp.zeros((3 * H,), dtype=jnp.float32),
        "b_hh": jnp.zeros((3 * H,), dtype=jnp.float32),
        "W_out": jax.random.normal(ks[6], (O, H), dtype=jnp.float32) * s,
        "b_out": jnp.zeros((O,), dtype=jnp.float32),
    }

def _gru_cell(m, h, w_ih, w_hh, b_ih, b_hh):
    gi = m @ w_ih.T + b_ih
    gh = h @ w_hh.T + b_hh
    i_r, i_z, i_n = jnp.split(gi, 3, axis=-1)
    h_r, h_z, h_n = jnp.split(gh, 3, axis=-1)
    r = jax.nn.sigmoid(i_r + h_r)
    z = jax.nn.sigmoid(i_z + h_z)
    n = jnp.tanh(i_n + r * h_n)
    return (1.0 - z) * n + z * h

def reference(x, edge_index, W_in, b_in, ggnn_w, w_ih, w_hh, b_ih, b_hh, W_out, b_out):
    # dropout is identity in eval mode
    B = x.shape[0]
    h = x.reshape(B * x.shape[1], x.shape[2])
    h = jax.nn.relu(h @ W_in.T + b_in)
    src = edge_index[0]
    dst = edge_index[1]
    # GatedGraphConv: no padding needed since fc_in output dim == out_channels
    for i in range(NUM_LAYERS):
        m = h @ ggnn_w[i]
        # propagate with aggr='add': message x_j gathered from src, scatter-added at dst
        agg = jnp.zeros_like(h).at[dst].add(m[src])
        h = _gru_cell(agg, h, w_ih, w_hh, b_ih, b_hh)
    h = jax.nn.relu(h)
    out = jax.nn.relu(h @ W_out.T + b_out)
    return out.reshape(B, -1, out.shape[-1])

if __name__ == "__main__":
    import jax
    _d = setup_inputs()
    print(jax.jit(kernel)(*tuple(_d.values())))

</pallas_src>

<mosaic_0001>
#map = affine_map<(d0, d1) -> (0, 0)>
#map1 = affine_map<(d0, d1) -> (0, 0, 0)>
module attributes {stable_mosaic.version = 14 : i64} {
  func.func @sc_scatter(%arg0: i32, %arg1: i32, %arg2: memref<10000x128xf32, #tpu.memory_space<hbm>>, %arg3: memref<2560x128xi32, #tpu.memory_space<hbm>>, %arg4: memref<2560x128xi32, #tpu.memory_space<hbm>>, %arg5: memref<128x128xf32, #tpu.memory_space<hbm>>, %arg6: memref<2x10240x128xf32, #tpu.memory_space<hbm>>, %arg7: memref<80x128xi32, #tpu.memory_space<vmem>>, %arg8: memref<80x128xi32, #tpu.memory_space<vmem>>, %arg9: memref<128x128xf32, #tpu.memory_space<vmem>>, %arg10: memref<10240x128xf32, #tpu.memory_space<vmem_shared>>, %arg11: memref<!tpu.dma_semaphore, #tpu.memory_space<semaphore_mem>>) attributes {dimension_semantics = [#tpu.dimension_semantics<core_parallel>, #tpu.dimension_semantics<subcore_parallel>], iteration_bounds = array<i64: 2, 16>, scalar_prefetch = 0 : i64, scratch_operands = 5 : i64, tpu.core_type = #tpu.core_type<sc_vector_subcore>, window_params = [{transform_indices = #map}, {transform_indices = #map}, {transform_indices = #map}, {transform_indices = #map}, {transform_indices = #map1}]} {
    %mul3A = arith.constant 2 : i32
    %mul3A_0 = arith.muli %arg1, %mul3A : i32
    %add3A = arith.addi %mul3A_0, %arg0 : i32
    %mul3A_1 = arith.constant 640 : i32
    %mul3A_2 = arith.muli %arg1, %mul3A_1 : i32
    %add3A_3 = arith.constant 0 : i32
    %add3A_4 = arith.addi %mul3A_2, %add3A_3 : i32
    "tpu.region"() ({
      %run_scoped3A = tpu.sem_alloc : memref<!tpu.dma_semaphore, #tpu.memory_space<semaphore_mem>>
      %dma_start3A = arith.constant 0 : i32
      %dma_start3A_51 = tpu.memref_slice %arg10[%add3A_4, %dma_start3A] : memref<10240x128xf32, #tpu.memory_space<vmem_shared>> -> memref<128x128xf32, #tpu.memory_space<vmem_shared>>
      tpu.enqueue_dma source(%arg5 : memref<128x128xf32, #tpu.memory_space<hbm>>) target(%dma_start3A_51 : memref<128x128xf32, #tpu.memory_space<vmem_shared>>) target_semaphore(%run_scoped3A : memref<!tpu.dma_semaphore, #tpu.memory_space<semaphore_mem>>)
      %dma_wait3A = arith.constant 0 : i32
      %dma_wait3A_52 = tpu.memref_slice %arg10[%add3A_4, %dma_wait3A] : memref<10240x128xf32, #tpu.memory_space<vmem_shared>> -> memref<128x128xf32, #tpu.memory_space<vmem_shared>>
      tpu.wait_dma2 semaphore(%run_scoped3A : memref<!tpu.dma_semaphore, #tpu.memory_space<semaphore_mem>>) src(%arg5 : memref<128x128xf32, #tpu.memory_space<hbm>>) dst(%dma_wait3A_52 : memref<128x128xf32, #tpu.memory_space<vmem_shared>>)
      tpu.yield
    }) : () -> ()
    %mul3A_5 = arith.constant 640 : i32
    %mul3A_6 = arith.muli %arg1, %mul3A_5 : i32
    %add3A_7 = arith.constant 128 : i32
    %add3A_8 = arith.addi %mul3A_6, %add3A_7 : i32
    "tpu.region"() ({
      %run_scoped3A = tpu.sem_alloc : memref<!tpu.dma_semaphore, #tpu.memory_space<semaphore_mem>>
      %dma_start3A = arith.constant 0 : i32
      %dma_start3A_51 = tpu.memref_slice %arg10[%add3A_8, %dma_start3A] : memref<10240x128xf32, #tpu.memory_space<vmem_shared>> -> memref<128x128xf32, #tpu.memory_space<vmem_shared>>
      tpu.enqueue_dma source(%arg5 : memref<128x128xf32, #tpu.memory_space<hbm>>) target(%dma_start3A_51 : memref<128x128xf32, #tpu.memory_space<vmem_shared>>) target_semaphore(%run_scoped3A : memref<!tpu.dma_semaphore, #tpu.memory_space<semaphore_mem>>)
      %dma_wait3A = arith.constant 0 : i32
      %dma_wait3A_52 = tpu.memref_slice %arg10[%add3A_8, %dma_wait3A] : memref<10240x128xf32, #tpu.memory_space<vmem_shared>> -> memref<128x128xf32, #tpu.memory_space<vmem_shared>>
      tpu.wait_dma2 semaphore(%run_scoped3A : memref<!tpu.dma_semaphore, #tpu.memory_space<semaphore_mem>>) src(%arg5 : memref<128x128xf32, #tpu.memory_space<hbm>>) dst(%dma_wait3A_52 : memref<128x128xf32, #tpu.memory_space<vmem_shared>>)
      tpu.yield
    }) : () -> ()
    %mul3A_9 = arith.constant 640 : i32
    %mul3A_10 = arith.muli %arg1, %mul3A_9 : i32
    %add3A_11 = arith.constant 256 : i32
    %add3A_12 = arith.addi %mul3A_10, %add3A_11 : i32
    "tpu.region"() ({
      %run_scoped3A = tpu.sem_alloc : memref<!tpu.dma_semaphore, #tpu.memory_space<semaphore_mem>>
      %dma_start3A = arith.constant 0 : i32
      %dma_start3A_51 = tpu.memref_slice %arg10[%add3A_12, %dma_start3A] : memref<10240x128xf32, #tpu.memory_space<vmem_shared>> -> memref<128x128xf32, #tpu.memory_space<vmem_shared>>
      tpu.enqueue_dma source(%arg5 : memref<128x128xf32, #tpu.memory_space<hbm>>) target(%dma_start3A_51 : memref<128x128xf32, #tpu.memory_space<vmem_shared>>) target_semaphore(%run_scoped3A : memref<!tpu.dma_semaphore, #tpu.memory_space<semaphore_mem>>)
      %dma_wait3A = arith.constant 0 : i32
      %dma_wait3A_52 = tpu.memref_slice %arg10[%add3A_12, %dma_wait3A] : memref<10240x128xf32, #tpu.memory_space<vmem_shared>> -> memref<128x128xf32, #tpu.memory_space<vmem_shared>>
      tpu.wait_dma2 semaphore(%run_scoped3A : memref<!tpu.dma_semaphore, #tpu.memory_space<semaphore_mem>>) src(%arg5 : memref<128x128xf32, #tpu.memory_space<hbm>>) dst(%dma_wait3A_52 : memref<128x128xf32, #tpu.memory_space<vmem_shared>>)
      tpu.yield
    }) : () -> ()
    %mul3A_13 = arith.constant 640 : i32
    %mul3A_14 = arith.muli %arg1, %mul3A_13 : i32
    %add3A_15 = arith.constant 384 : i32
    %add3A_16 = arith.addi %mul3A_14, %add3A_15 : i32
    "tpu.region"() ({
      %run_scoped3A = tpu.sem_alloc : memref<!tpu.dma_semaphore, #tpu.memory_space<semaphore_mem>>
      %dma_start3A = arith.constant 0 : i32
      %dma_start3A_51 = tpu.memref_slice %arg10[%add3A_16, %dma_start3A] : memref<10240x128xf32, #tpu.memory_space<vmem_shared>> -> memref<128x128xf32, #tpu.memory_space<vmem_shared>>
      tpu.enqueue_dma source(%arg5 : memref<128x128xf32, #tpu.memory_space<hbm>>) target(%dma_start3A_51 : memref<128x128xf32, #tpu.memory_space<vmem_shared>>) target_semaphore(%run_scoped3A : memref<!tpu.dma_semaphore, #tpu.memory_space<semaphore_mem>>)
      %dma_wait3A = arith.constant 0 : i32
      %dma_wait3A_52 = tpu.memref_slice %arg10[%add3A_16, %dma_wait3A] : memref<10240x128xf32, #tpu.memory_space<vmem_shared>> -> memref<128x128xf32, #tpu.memory_space<vmem_shared>>
      tpu.wait_dma2 semaphore(%run_scoped3A : memref<!tpu.dma_semaphore, #tpu.memory_space<semaphore_mem>>) src(%arg5 : memref<128x128xf32, #tpu.memory_space<hbm>>) dst(%dma_wait3A_52 : memref<128x128xf32, #tpu.memory_space<vmem_shared>>)
      tpu.yield
    }) : () -> ()
    %mul3A_17 = arith.constant 640 : i32
    %mul3A_18 = arith.muli %arg1, %mul3A_17 : i32
    %add3A_19 = arith.constant 512 : i32
    %add3A_20 = arith.addi %mul3A_18, %add3A_19 : i32
    "tpu.region"() ({
      %run_scoped3A = tpu.sem_alloc : memref<!tpu.dma_semaphore, #tpu.memory_space<semaphore_mem>>
      %dma_start3A = arith.constant 0 : i32
      %dma_start3A_51 = tpu.memref_slice %arg10[%add3A_20, %dma_start3A] : memref<10240x128xf32, #tpu.memory_space<vmem_shared>> -> memref<128x128xf32, #tpu.memory_space<vmem_shared>>
      tpu.enqueue_dma source(%arg5 : memref<128x128xf32, #tpu.memory_space<hbm>>) target(%dma_start3A_51 : memref<128x128xf32, #tpu.memory_space<vmem_shared>>) target_semaphore(%run_scoped3A : memref<!tpu.dma_semaphore, #tpu.memory_space<semaphore_mem>>)
      %dma_wait3A = arith.constant 0 : i32
      %dma_wait3A_52 = tpu.memref_slice %arg10[%add3A_20, %dma_wait3A] : memref<10240x128xf32, #tpu.memory_space<vmem_shared>> -> memref<128x128xf32, #tpu.memory_space<vmem_shared>>
      tpu.wait_dma2 semaphore(%run_scoped3A : memref<!tpu.dma_semaphore, #tpu.memory_space<semaphore_mem>>) src(%arg5 : memref<128x128xf32, #tpu.memory_space<hbm>>) dst(%dma_wait3A_52 : memref<128x128xf32, #tpu.memory_space<vmem_shared>>)
      tpu.yield
    }) : () -> ()
    %barrier3A = arith.constant 0 : index
    tpu.barrier barrier_id(%barrier3A)
    %mul3A_21 = arith.constant 80 : i32
    %mul3A_22 = arith.muli %add3A, %mul3A_21 : i32
    "tpu.region"() ({
      %run_scoped3A = tpu.sem_alloc : memref<!tpu.dma_semaphore, #tpu.memory_space<semaphore_mem>>
      %dma_start3A = arith.constant 0 : i32
      %dma_start3A_51 = tpu.memref_slice %arg3[%mul3A_22, %dma_start3A] : memref<2560x128xi32, #tpu.memory_space<hbm>> -> memref<80x128xi32, #tpu.memory_space<hbm>>
      %dma_start3A_52 = arith.constant 0 : i32
      %dma_start3A_53 = tpu.memref_slice %arg3[%mul3A_22, %dma_start3A_52] : memref<2560x128xi32, #tpu.memory_space<hbm>> -> memref<80x128xi32, #tpu.memory_space<hbm>>
      tpu.enqueue_dma source(%dma_start3A_53 : memref<80x128xi32, #tpu.memory_space<hbm>>) target(%arg7 : memref<80x128xi32, #tpu.memory_space<vmem>>) target_semaphore(%run_scoped3A : memref<!tpu.dma_semaphore, #tpu.memory_space<semaphore_mem>>)
      %dma_wait3A = arith.constant 0 : i32
      %dma_wait3A_54 = tpu.memref_slice %arg3[%mul3A_22, %dma_wait3A] : memref<2560x128xi32, #tpu.memory_space<hbm>> -> memref<80x128xi32, #tpu.memory_space<hbm>>
      %dma_wait3A_55 = arith.constant 0 : i32
      %dma_wait3A_56 = tpu.memref_slice %arg3[%mul3A_22, %dma_wait3A_55] : memref<2560x128xi32, #tpu.memory_space<hbm>> -> memref<80x128xi32, #tpu.memory_space<hbm>>
      tpu.wait_dma2 semaphore(%run_scoped3A : memref<!tpu.dma_semaphore, #tpu.memory_space<semaphore_mem>>) src(%dma_wait3A_56 : memref<80x128xi32, #tpu.memory_space<hbm>>) dst(%arg7 : memref<80x128xi32, #tpu.memory_space<vmem>>)
      tpu.yield
    }) : () -> ()
    %mul3A_23 = arith.constant 80 : i32
    %mul3A_24 = arith.muli %add3A, %mul3A_23 : i32
    "tpu.region"() ({
      %run_scoped3A = tpu.sem_alloc : memref<!tpu.dma_semaphore, #tpu.memory_space<semaphore_mem>>
      %dma_start3A = arith.constant 0 : i32
      %dma_start3A_51 = tpu.memref_slice %arg4[%mul3A_24, %dma_start3A] : memref<2560x128xi32, #tpu.memory_space<hbm>> -> memref<80x128xi32, #tpu.memory_space<hbm>>
      %dma_start3A_52 = arith.constant 0 : i32
      %dma_start3A_53 = tpu.memref_slice %arg4[%mul3A_24, %dma_start3A_52] : memref<2560x128xi32, #tpu.memory_space<hbm>> -> memref<80x128xi32, #tpu.memory_space<hbm>>
      tpu.enqueue_dma source(%dma_start3A_53 : memref<80x128xi32, #tpu.memory_space<hbm>>) target(%arg8 : memref<80x128xi32, #tpu.memory_space<vmem>>) target_semaphore(%run_scoped3A : memref<!tpu.dma_semaphore, #tpu.memory_space<semaphore_mem>>)
      %dma_wait3A = arith.constant 0 : i32
      %dma_wait3A_54 = tpu.memref_slice %arg4[%mul3A_24, %dma_wait3A] : memref<2560x128xi32, #tpu.memory_space<hbm>> -> memref<80x128xi32, #tpu.memory_space<hbm>>
      %dma_wait3A_55 = arith.constant 0 : i32
      %dma_wait3A_56 = tpu.memref_slice %arg4[%mul3A_24, %dma_wait3A_55] : memref<2560x128xi32, #tpu.memory_space<hbm>> -> memref<80x128xi32, #tpu.memory_space<hbm>>
      tpu.wait_dma2 semaphore(%run_scoped3A : memref<!tpu.dma_semaphore, #tpu.memory_space<semaphore_mem>>) src(%dma_wait3A_56 : memref<80x128xi32, #tpu.memory_space<hbm>>) dst(%arg8 : memref<80x128xi32, #tpu.memory_space<vmem>>)
      tpu.yield
    }) : () -> ()
    %scan3A = arith.constant 0 : i32
    %scan3A_25 = arith.constant 0 : i32
    %scan3A_26 = arith.constant 80 : i32
    %scan3A_27 = arith.addi %scan3A_25, %scan3A_26 : i32
    %scan3A_28 = arith.constant 1 : i32
    scf.for %scan3A_51 = %scan3A_25 to %scan3A_27 step %scan3A_28  : i32 {
      %dma_start3A = arith.constant 0 : i32
      %dma_start3A_52 = tpu.memref_slice %arg7[%scan3A_51, %dma_start3A] : memref<80x128xi32, #tpu.memory_space<vmem>> -> memref<1x128xi32, #tpu.memory_space<vmem>>
      %dma_start3A_53 = tpu.memref_squeeze %dma_start3A_52 : memref<1x128xi32, #tpu.memory_space<vmem>> -> memref<128xi32, #tpu.memory_space<vmem>>
      %dma_start3A_54 = arith.constant 0 : i32
      %dma_start3A_55 = arith.constant 0 : i32
      %dma_start3A_56 = tpu.memref_slice %arg2[%dma_start3A_54, %dma_start3A_55] : memref<10000x128xf32, #tpu.memory_space<hbm>> -> memref<10000x128xf32, #tpu.memory_space<hbm>>
      tpu.enqueue_indirect_dma source(%dma_start3A_56 : memref<10000x128xf32, #tpu.memory_space<hbm>>) target(%arg9 : memref<128x128xf32, #tpu.memory_space<vmem>>) offsets(%dma_start3A_53 : memref<128xi32, #tpu.memory_space<vmem>>) semaphore(%arg11 : memref<!tpu.dma_semaphore, #tpu.memory_space<semaphore_mem>>)
      %dma_wait3A = arith.constant 0 : i32
      %dma_wait3A_57 = tpu.memref_slice %arg7[%scan3A_51, %dma_wait3A] : memref<80x128xi32, #tpu.memory_space<vmem>> -> memref<1x128xi32, #tpu.memory_space<vmem>>
      %dma_wait3A_58 = tpu.memref_squeeze %dma_wait3A_57 : memref<1x128xi32, #tpu.memory_space<vmem>> -> memref<128xi32, #tpu.memory_space<vmem>>
      %dma_wait3A_59 = arith.constant 0 : i32
      %dma_wait3A_60 = arith.constant 0 : i32
      %dma_wait3A_61 = tpu.memref_slice %arg2[%dma_wait3A_59, %dma_wait3A_60] : memref<10000x128xf32, #tpu.memory_space<hbm>> -> memref<10000x128xf32, #tpu.memory_space<hbm>>
      tpu.wait_indirect_dma semaphore(%arg11 : memref<!tpu.dma_semaphore, #tpu.memory_space<semaphore_mem>>) src(%dma_wait3A_61 : memref<10000x128xf32, #tpu.memory_space<hbm>>) dst(%arg9 : memref<128x128xf32, #tpu.memory_space<vmem>>)
      "tpu.region"() ({
        %run_scoped3A = tpu.sem_alloc : memref<!tpu.dma_semaphore, #tpu.memory_space<semaphore_mem>>
        %dma_start3A_62 = arith.constant 0 : i32
        %dma_start3A_63 = tpu.memref_slice %arg8[%scan3A_51, %dma_start3A_62] : memref<80x128xi32, #tpu.memory_space<vmem>> -> memref<1x128xi32, #tpu.memory_space<vmem>>
        %dma_start3A_64 = tpu.memref_squeeze %dma_start3A_63 : memref<1x128xi32, #tpu.memory_space<vmem>> -> memref<128xi32, #tpu.memory_space<vmem>>
        %dma_start3A_65 = arith.constant 0 : i32
        %dma_start3A_66 = arith.constant 0 : i32
        %dma_start3A_67 = tpu.memref_slice %arg10[%dma_start3A_65, %dma_start3A_66] : memref<10240x128xf32, #tpu.memory_space<vmem_shared>> -> memref<10240x128xf32, #tpu.memory_space<vmem_shared>>
        tpu.enqueue_indirect_dma source(%arg9 : memref<128x128xf32, #tpu.memory_space<vmem>>) target(%dma_start3A_67 : memref<10240x128xf32, #tpu.memory_space<vmem_shared>>) offsets(%dma_start3A_64 : memref<128xi32, #tpu.memory_space<vmem>>) semaphore(%run_scoped3A : memref<!tpu.dma_semaphore, #tpu.memory_space<semaphore_mem>>) {add = true}
        %dma_wait3A_68 = arith.constant 0 : i32
        %dma_wait3A_69 = tpu.memref_slice %arg8[%scan3A_51, %dma_wait3A_68] : memref<80x128xi32, #tpu.memory_space<vmem>> -> memref<1x128xi32, #tpu.memory_space<vmem>>
        %dma_wait3A_70 = tpu.memref_squeeze %dma_wait3A_69 : memref<1x128xi32, #tpu.memory_space<vmem>> -> memref<128xi32, #tpu.memory_space<vmem>>
        %dma_wait3A_71 = arith.constant 0 : i32
        %dma_wait3A_72 = arith.constant 0 : i32
        %dma_wait3A_73 = tpu.memref_slice %arg10[%dma_wait3A_71, %dma_wait3A_72] : memref<10240x128xf32, #tpu.memory_space<vmem_shared>> -> memref<10240x128xf32, #tpu.memory_space<vmem_shared>>
        tpu.wait_indirect_dma semaphore(%run_scoped3A : memref<!tpu.dma_semaphore, #tpu.memory_space<semaphore_mem>>) src(%arg9 : memref<128x128xf32, #tpu.memory_space<vmem>>) dst(%dma_wait3A_73 : memref<10240x128xf32, #tpu.memory_space<vmem_shared>>)
        tpu.yield
      }) : () -> ()
    }
    %scan3A_29 = arith.constant 80 : i32
    %barrier3A_30 = arith.constant 0 : index
    tpu.barrier barrier_id(%barrier3A_30)
    %mul3A_31 = arith.constant 640 : i32
    %mul3A_32 = arith.muli %arg1, %mul3A_31 : i32
    %add3A_33 = arith.constant 0 : i32
    %add3A_34 = arith.addi %mul3A_32, %add3A_33 : i32
    "tpu.region"() ({
      %run_scoped3A = tpu.sem_alloc : memref<!tpu.dma_semaphore, #tpu.memory_space<semaphore_mem>>
      %dma_start3A = arith.constant 0 : i32
      %dma_start3A_51 = tpu.memref_slice %arg6[%arg0, %add3A_34, %dma_start3A] : memref<2x10240x128xf32, #tpu.memory_space<hbm>> -> memref<1x128x128xf32, #tpu.memory_space<hbm>>
      %dma_start3A_52 = tpu.memref_squeeze %dma_start3A_51 : memref<1x128x128xf32, #tpu.memory_space<hbm>> -> memref<128x128xf32, #tpu.memory_space<hbm>>
      %dma_start3A_53 = arith.constant 0 : i32
      %dma_start3A_54 = tpu.memref_slice %arg10[%add3A_34, %dma_start3A_53] : memref<10240x128xf32, #tpu.memory_space<vmem_shared>> -> memref<128x128xf32, #tpu.memory_space<vmem_shared>>
      tpu.enqueue_dma source(%dma_start3A_54 : memref<128x128xf32, #tpu.memory_space<vmem_shared>>) target(%dma_start3A_52 : memref<128x128xf32, #tpu.memory_space<hbm>>) target_semaphore(%run_scoped3A : memref<!tpu.dma_semaphore, #tpu.memory_space<semaphore_mem>>)
      %dma_wait3A = arith.constant 0 : i32
      %dma_wait3A_55 = tpu.memref_slice %arg6[%arg0, %add3A_34, %dma_wait3A] : memref<2x10240x128xf32, #tpu.memory_space<hbm>> -> memref<1x128x128xf32, #tpu.memory_space<hbm>>
      %dma_wait3A_56 = tpu.memref_squeeze %dma_wait3A_55 : memref<1x128x128xf32, #tpu.memory_space<hbm>> -> memref<128x128xf32, #tpu.memory_space<hbm>>
      %dma_wait3A_57 = arith.constant 0 : i32
      %dma_wait3A_58 = tpu.memref_slice %arg10[%add3A_34, %dma_wait3A_57] : memref<10240x128xf32, #tpu.memory_space<vmem_shared>> -> memref<128x128xf32, #tpu.memory_space<vmem_shared>>
      tpu.wait_dma2 semaphore(%run_scoped3A : memref<!tpu.dma_semaphore, #tpu.memory_space<semaphore_mem>>) src(%dma_wait3A_58 : memref<128x128xf32, #tpu.memory_space<vmem_shared>>) dst(%dma_wait3A_56 : memref<128x128xf32, #tpu.memory_space<hbm>>)
      tpu.yield
    }) : () -> ()
    %mul3A_35 = arith.constant 640 : i32
    %mul3A_36 = arith.muli %arg1, %mul3A_35 : i32
    %add3A_37 = arith.constant 128 : i32
    %add3A_38 = arith.addi %mul3A_36, %add3A_37 : i32
    "tpu.region"() ({
      %run_scoped3A = tpu.sem_alloc : memref<!tpu.dma_semaphore, #tpu.memory_space<semaphore_mem>>
      %dma_start3A = arith.constant 0 : i32
      %dma_start3A_51 = tpu.memref_slice %arg6[%arg0, %add3A_38, %dma_start3A] : memref<2x10240x128xf32, #tpu.memory_space<hbm>> -> memref<1x128x128xf32, #tpu.memory_space<hbm>>
      %dma_start3A_52 = tpu.memref_squeeze %dma_start3A_51 : memref<1x128x128xf32, #tpu.memory_space<hbm>> -> memref<128x128xf32, #tpu.memory_space<hbm>>
      %dma_start3A_53 = arith.constant 0 : i32
      %dma_start3A_54 = tpu.memref_slice %arg10[%add3A_38, %dma_start3A_53] : memref<10240x128xf32, #tpu.memory_space<vmem_shared>> -> memref<128x128xf32, #tpu.memory_space<vmem_shared>>
      tpu.enqueue_dma source(%dma_start3A_54 : memref<128x128xf32, #tpu.memory_space<vmem_shared>>) target(%dma_start3A_52 : memref<128x128xf32, #tpu.memory_space<hbm>>) target_semaphore(%run_scoped3A : memref<!tpu.dma_semaphore, #tpu.memory_space<semaphore_mem>>)
      %dma_wait3A = arith.constant 0 : i32
      %dma_wait3A_55 = tpu.memref_slice %arg6[%arg0, %add3A_38, %dma_wait3A] : memref<2x10240x128xf32, #tpu.memory_space<hbm>> -> memref<1x128x128xf32, #tpu.memory_space<hbm>>
      %dma_wait3A_56 = tpu.memref_squeeze %dma_wait3A_55 : memref<1x128x128xf32, #tpu.memory_space<hbm>> -> memref<128x128xf32, #tpu.memory_space<hbm>>
      %dma_wait3A_57 = arith.constant 0 : i32
      %dma_wait3A_58 = tpu.memref_slice %arg10[%add3A_38, %dma_wait3A_57] : memref<10240x128xf32, #tpu.memory_space<vmem_shared>> -> memref<128x128xf32, #tpu.memory_space<vmem_shared>>
      tpu.wait_dma2 semaphore(%run_scoped3A : memref<!tpu.dma_semaphore, #tpu.memory_space<semaphore_mem>>) src(%dma_wait3A_58 : memref<128x128xf32, #tpu.memory_space<vmem_shared>>) dst(%dma_wait3A_56 : memref<128x128xf32, #tpu.memory_space<hbm>>)
      tpu.yield
    }) : () -> ()
    %mul3A_39 = arith.constant 640 : i32
    %mul3A_40 = arith.muli %arg1, %mul3A_39 : i32
    %add3A_41 = arith.constant 256 : i32
    %add3A_42 = arith.addi %mul3A_40, %add3A_41 : i32
    "tpu.region"() ({
      %run_scoped3A = tpu.sem_alloc : memref<!tpu.dma_semaphore, #tpu.memory_space<semaphore_mem>>
      %dma_start3A = arith.constant 0 : i32
      %dma_start3A_51 = tpu.memref_slice %arg6[%arg0, %add3A_42, %dma_start3A] : memref<2x10240x128xf32, #tpu.memory_space<hbm>> -> memref<1x128x128xf32, #tpu.memory_space<hbm>>
      %dma_start3A_52 = tpu.memref_squeeze %dma_start3A_51 : memref<1x128x128xf32, #tpu.memory_space<hbm>> -> memref<128x128xf32, #tpu.memory_space<hbm>>
      %dma_start3A_53 = arith.constant 0 : i32
      %dma_start3A_54 = tpu.memref_slice %arg10[%add3A_42, %dma_start3A_53] : memref<10240x128xf32, #tpu.memory_space<vmem_shared>> -> memref<128x128xf32, #tpu.memory_space<vmem_shared>>
      tpu.enqueue_dma source(%dma_start3A_54 : memref<128x128xf32, #tpu.memory_space<vmem_shared>>) target(%dma_start3A_52 : memref<128x128xf32, #tpu.memory_space<hbm>>) target_semaphore(%run_scoped3A : memref<!tpu.dma_semaphore, #tpu.memory_space<semaphore_mem>>)
      %dma_wait3A = arith.constant 0 : i32
      %dma_wait3A_55 = tpu.memref_slice %arg6[%arg0, %add3A_42, %dma_wait3A] : memref<2x10240x128xf32, #tpu.memory_space<hbm>> -> memref<1x128x128xf32, #tpu.memory_space<hbm>>
      %dma_wait3A_56 = tpu.memref_squeeze %dma_wait3A_55 : memref<1x128x128xf32, #tpu.memory_space<hbm>> -> memref<128x128xf32, #tpu.memory_space<hbm>>
      %dma_wait3A_57 = arith.constant 0 : i32
      %dma_wait3A_58 = tpu.memref_slice %arg10[%add3A_42, %dma_wait3A_57] : memref<10240x128xf32, #tpu.memory_space<vmem_shared>> -> memref<128x128xf32, #tpu.memory_space<vmem_shared>>
      tpu.wait_dma2 semaphore(%run_scoped3A : memref<!tpu.dma_semaphore, #tpu.memory_space<semaphore_mem>>) src(%dma_wait3A_58 : memref<128x128xf32, #tpu.memory_space<vmem_shared>>) dst(%dma_wait3A_56 : memref<128x128xf32, #tpu.memory_space<hbm>>)
      tpu.yield
    }) : () -> ()
    %mul3A_43 = arith.constant 640 : i32
    %mul3A_44 = arith.muli %arg1, %mul3A_43 : i32
    %add3A_45 = arith.constant 384 : i32
    %add3A_46 = arith.addi %mul3A_44, %add3A_45 : i32
    "tpu.region"() ({
      %run_scoped3A = tpu.sem_alloc : memref<!tpu.dma_semaphore, #tpu.memory_space<semaphore_mem>>
      %dma_start3A = arith.constant 0 : i32
      %dma_start3A_51 = tpu.memref_slice %arg6[%arg0, %add3A_46, %dma_start3A] : memref<2x10240x128xf32, #tpu.memory_space<hbm>> -> memref<1x128x128xf32, #tpu.memory_space<hbm>>
      %dma_start3A_52 = tpu.memref_squeeze %dma_start3A_51 : memref<1x128x128xf32, #tpu.memory_space<hbm>> -> memref<128x128xf32, #tpu.memory_space<hbm>>
      %dma_start3A_53 = arith.constant 0 : i32
      %dma_start3A_54 = tpu.memref_slice %arg10[%add3A_46, %dma_start3A_53] : memref<10240x128xf32, #tpu.memory_space<vmem_shared>> -> memref<128x128xf32, #tpu.memory_space<vmem_shared>>
      tpu.enqueue_dma source(%dma_start3A_54 : memref<128x128xf32, #tpu.memory_space<vmem_shared>>) target(%dma_start3A_52 : memref<128x128xf32, #tpu.memory_space<hbm>>) target_semaphore(%run_scoped3A : memref<!tpu.dma_semaphore, #tpu.memory_space<semaphore_mem>>)
      %dma_wait3A = arith.constant 0 : i32
      %dma_wait3A_55 = tpu.memref_slice %arg6[%arg0, %add3A_46, %dma_wait3A] : memref<2x10240x128xf32, #tpu.memory_space<hbm>> -> memref<1x128x128xf32, #tpu.memory_space<hbm>>
      %dma_wait3A_56 = tpu.memref_squeeze %dma_wait3A_55 : memref<1x128x128xf32, #tpu.memory_space<hbm>> -> memref<128x128xf32, #tpu.memory_space<hbm>>
      %dma_wait3A_57 = arith.constant 0 : i32
      %dma_wait3A_58 = tpu.memref_slice %arg10[%add3A_46, %dma_wait3A_57] : memref<10240x128xf32, #tpu.memory_space<vmem_shared>> -> memref<128x128xf32, #tpu.memory_space<vmem_shared>>
      tpu.wait_dma2 semaphore(%run_scoped3A : memref<!tpu.dma_semaphore, #tpu.memory_space<semaphore_mem>>) src(%dma_wait3A_58 : memref<128x128xf32, #tpu.memory_space<vmem_shared>>) dst(%dma_wait3A_56 : memref<128x128xf32, #tpu.memory_space<hbm>>)
      tpu.yield
    }) : () -> ()
    %mul3A_47 = arith.constant 640 : i32
    %mul3A_48 = arith.muli %arg1, %mul3A_47 : i32
    %add3A_49 = arith.constant 512 : i32
    %add3A_50 = arith.addi %mul3A_48, %add3A_49 : i32
    "tpu.region"() ({
      %run_scoped3A = tpu.sem_alloc : memref<!tpu.dma_semaphore, #tpu.memory_space<semaphore_mem>>
      %dma_start3A = arith.constant 0 : i32
      %dma_start3A_51 = tpu.memref_slice %arg6[%arg0, %add3A_50, %dma_start3A] : memref<2x10240x128xf32, #tpu.memory_space<hbm>> -> memref<1x128x128xf32, #tpu.memory_space<hbm>>
      %dma_start3A_52 = tpu.memref_squeeze %dma_start3A_51 : memref<1x128x128xf32, #tpu.memory_space<hbm>> -> memref<128x128xf32, #tpu.memory_space<hbm>>
      %dma_start3A_53 = arith.constant 0 : i32
      %dma_start3A_54 = tpu.memref_slice %arg10[%add3A_50, %dma_start3A_53] : memref<10240x128xf32, #tpu.memory_space<vmem_shared>> -> memref<128x128xf32, #tpu.memory_space<vmem_shared>>
      tpu.enqueue_dma source(%dma_start3A_54 : memref<128x128xf32, #tpu.memory_space<vmem_shared>>) target(%dma_start3A_52 : memref<128x128xf32, #tpu.memory_space<hbm>>) target_semaphore(%run_scoped3A : memref<!tpu.dma_semaphore, #tpu.memory_space<semaphore_mem>>)
      %dma_wait3A = arith.constant 0 : i32
      %dma_wait3A_55 = tpu.memref_slice %arg6[%arg0, %add3A_50, %dma_wait3A] : memref<2x10240x128xf32, #tpu.memory_space<hbm>> -> memref<1x128x128xf32, #tpu.memory_space<hbm>>
      %dma_wait3A_56 = tpu.memref_squeeze %dma_wait3A_55 : memref<1x128x128xf32, #tpu.memory_space<hbm>> -> memref<128x128xf32, #tpu.memory_space<hbm>>
      %dma_wait3A_57 = arith.constant 0 : i32
      %dma_wait3A_58 = tpu.memref_slice %arg10[%add3A_50, %dma_wait3A_57] : memref<10240x128xf32, #tpu.memory_space<vmem_shared>> -> memref<128x128xf32, #tpu.memory_space<vmem_shared>>
      tpu.wait_dma2 semaphore(%run_scoped3A : memref<!tpu.dma_semaphore, #tpu.memory_space<semaphore_mem>>) src(%dma_wait3A_58 : memref<128x128xf32, #tpu.memory_space<vmem_shared>>) dst(%dma_wait3A_56 : memref<128x128xf32, #tpu.memory_space<hbm>>)
      tpu.yield
    }) : () -> ()
    return
  }
}

#map = affine_map<(d0, d1) -> (0, 0)>
#map1 = affine_map<(d0, d1) -> (0, 0, 0)>
module attributes {stable_mosaic.version = 14 : i64} {
  func.func @sc_scatter(%arg0: i32, %arg1: i32, %arg2: memref<10000x128xf32, #tpu.memory_space<hbm>>, %arg3: memref<2560x128xi32, #tpu.memory_space<hbm>>, %arg4: memref<2560x128xi32, #tpu.memory_space<hbm>>, %arg5: memref<128x128xf32, #tpu.memory_space<hbm>>, %arg6: memref<2x10240x128xf32, #tpu.memory_space<hbm>>, %arg7: memref<80x128xi32, #tpu.memory_space<vmem>>, %arg8: memref<80x128xi32, #tpu.memory_space<vmem>>, %arg9: memref<128x128xf32, #tpu.memory_space<vmem>>, %arg10: memref<10240x128xf32, #tpu.memory_space<vmem_shared>>, %arg11: memref<!tpu.dma_semaphore, #tpu.memory_space<semaphore_mem>>) attributes {dimension_semantics = [#tpu.dimension_semantics<core_parallel>, #tpu.dimension_semantics<subcore_parallel>], iteration_bounds = array<i64: 2, 16>, scalar_prefetch = 0 : i64, scratch_operands = 5 : i64, tpu.core_type = #tpu.core_type<sc_vector_subcore>, window_params = [{transform_indices = #map}, {transform_indices = #map}, {transform_indices = #map}, {transform_indices = #map}, {transform_indices = #map1}]} {
    %mul3A = arith.constant 2 : i32
    %mul3A_0 = arith.muli %arg1, %mul3A : i32
    %add3A = arith.addi %mul3A_0, %arg0 : i32
    %mul3A_1 = arith.constant 640 : i32
    %mul3A_2 = arith.muli %arg1, %mul3A_1 : i32
    %add3A_3 = arith.constant 0 : i32
    %add3A_4 = arith.addi %mul3A_2, %add3A_3 : i32
    "tpu.region"() ({
      %run_scoped3A = tpu.sem_alloc : memref<!tpu.dma_semaphore, #tpu.memory_space<semaphore_mem>>
      %dma_start3A = arith.constant 0 : i32
      %dma_start3A_51 = tpu.memref_slice %arg10[%add3A_4, %dma_start3A] : memref<10240x128xf32, #tpu.memory_space<vmem_shared>> -> memref<128x128xf32, #tpu.memory_space<vmem_shared>>
      tpu.enqueue_dma source(%arg5 : memref<128x128xf32, #tpu.memory_space<hbm>>) target(%dma_start3A_51 : memref<128x128xf32, #tpu.memory_space<vmem_shared>>) target_semaphore(%run_scoped3A : memref<!tpu.dma_semaphore, #tpu.memory_space<semaphore_mem>>)
      %dma_wait3A = arith.constant 0 : i32
      %dma_wait3A_52 = tpu.memref_slice %arg10[%add3A_4, %dma_wait3A] : memref<10240x128xf32, #tpu.memory_space<vmem_shared>> -> memref<128x128xf32, #tpu.memory_space<vmem_shared>>
      tpu.wait_dma2 semaphore(%run_scoped3A : memref<!tpu.dma_semaphore, #tpu.memory_space<semaphore_mem>>) src(%arg5 : memref<128x128xf32, #tpu.memory_space<hbm>>) dst(%dma_wait3A_52 : memref<128x128xf32, #tpu.memory_space<vmem_shared>>)
      tpu.yield
    }) : () -> ()
    %mul3A_5 = arith.constant 640 : i32
    %mul3A_6 = arith.muli %arg1, %mul3A_5 : i32
    %add3A_7 = arith.constant 128 : i32
    %add3A_8 = arith.addi %mul3A_6, %add3A_7 : i32
    "tpu.region"() ({
      %run_scoped3A = tpu.sem_alloc : memref<!tpu.dma_semaphore, #tpu.memory_space<semaphore_mem>>
      %dma_start3A = arith.constant 0 : i32
      %dma_start3A_51 = tpu.memref_slice %arg10[%add3A_8, %dma_start3A] : memref<10240x128xf32, #tpu.memory_space<vmem_shared>> -> memref<128x128xf32, #tpu.memory_space<vmem_shared>>
      tpu.enqueue_dma source(%arg5 : memref<128x128xf32, #tpu.memory_space<hbm>>) target(%dma_start3A_51 : memref<128x128xf32, #tpu.memory_space<vmem_shared>>) target_semaphore(%run_scoped3A : memref<!tpu.dma_semaphore, #tpu.memory_space<semaphore_mem>>)
      %dma_wait3A = arith.constant 0 : i32
      %dma_wait3A_52 = tpu.memref_slice %arg10[%add3A_8, %dma_wait3A] : memref<10240x128xf32, #tpu.memory_space<vmem_shared>> -> memref<128x128xf32, #tpu.memory_space<vmem_shared>>
      tpu.wait_dma2 semaphore(%run_scoped3A : memref<!tpu.dma_semaphore, #tpu.memory_space<semaphore_mem>>) src(%arg5 : memref<128x128xf32, #tpu.memory_space<hbm>>) dst(%dma_wait3A_52 : memref<128x128xf32, #tpu.memory_space<vmem_shared>>)
      tpu.yield
    }) : () -> ()
    %mul3A_9 = arith.constant 640 : i32
    %mul3A_10 = arith.muli %arg1, %mul3A_9 : i32
    %add3A_11 = arith.constant 256 : i32
    %add3A_12 = arith.addi %mul3A_10, %add3A_11 : i32
    "tpu.region"() ({
      %run_scoped3A = tpu.sem_alloc : memref<!tpu.dma_semaphore, #tpu.memory_space<semaphore_mem>>
      %dma_start3A = arith.constant 0 : i32
      %dma_start3A_51 = tpu.memref_slice %arg10[%add3A_12, %dma_start3A] : memref<10240x128xf32, #tpu.memory_space<vmem_shared>> -> memref<128x128xf32, #tpu.memory_space<vmem_shared>>
      tpu.enqueue_dma source(%arg5 : memref<128x128xf32, #tpu.memory_space<hbm>>) target(%dma_start3A_51 : memref<128x128xf32, #tpu.memory_space<vmem_shared>>) target_semaphore(%run_scoped3A : memref<!tpu.dma_semaphore, #tpu.memory_space<semaphore_mem>>)
      %dma_wait3A = arith.constant 0 : i32
      %dma_wait3A_52 = tpu.memref_slice %arg10[%add3A_12, %dma_wait3A] : memref<10240x128xf32, #tpu.memory_space<vmem_shared>> -> memref<128x128xf32, #tpu.memory_space<vmem_shared>>
      tpu.wait_dma2 semaphore(%run_scoped3A : memref<!tpu.dma_semaphore, #tpu.memory_space<semaphore_mem>>) src(%arg5 : memref<128x128xf32, #tpu.memory_space<hbm>>) dst(%dma_wait3A_52 : memref<128x128xf32, #tpu.memory_space<vmem_shared>>)
      tpu.yield
    }) : () -> ()
    %mul3A_13 = arith.constant 640 : i32
    %mul3A_14 = arith.muli %arg1, %mul3A_13 : i32
    %add3A_15 = arith.constant 384 : i32
    %add3A_16 = arith.addi %mul3A_14, %add3A_15 : i32
    "tpu.region"() ({
      %run_scoped3A = tpu.sem_alloc : memref<!tpu.dma_semaphore, #tpu.memory_space<semaphore_mem>>
      %dma_start3A = arith.constant 0 : i32
      %dma_start3A_51 = tpu.memref_slice %arg10[%add3A_16, %dma_start3A] : memref<10240x128xf32, #tpu.memory_space<vmem_shared>> -> memref<128x128xf32, #tpu.memory_space<vmem_shared>>
      tpu.enqueue_dma source(%arg5 : memref<128x128xf32, #tpu.memory_space<hbm>>) target(%dma_start3A_51 : memref<128x128xf32, #tpu.memory_space<vmem_shared>>) target_semaphore(%run_scoped3A : memref<!tpu.dma_semaphore, #tpu.memory_space<semaphore_mem>>)
      %dma_wait3A = arith.constant 0 : i32
      %dma_wait3A_52 = tpu.memref_slice %arg10[%add3A_16, %dma_wait3A] : memref<10240x128xf32, #tpu.memory_space<vmem_shared>> -> memref<128x128xf32, #tpu.memory_space<vmem_shared>>
      tpu.wait_dma2 semaphore(%run_scoped3A : memref<!tpu.dma_semaphore, #tpu.memory_space<semaphore_mem>>) src(%arg5 : memref<128x128xf32, #tpu.memory_space<hbm>>) dst(%dma_wait3A_52 : memref<128x128xf32, #tpu.memory_space<vmem_shared>>)
      tpu.yield
    }) : () -> ()
    %mul3A_17 = arith.constant 640 : i32
    %mul3A_18 = arith.muli %arg1, %mul3A_17 : i32
    %add3A_19 = arith.constant 512 : i32
    %add3A_20 = arith.addi %mul3A_18, %add3A_19 : i32
    "tpu.region"() ({
      %run_scoped3A = tpu.sem_alloc : memref<!tpu.dma_semaphore, #tpu.memory_space<semaphore_mem>>
      %dma_start3A = arith.constant 0 : i32
      %dma_start3A_51 = tpu.memref_slice %arg10[%add3A_20, %dma_start3A] : memref<10240x128xf32, #tpu.memory_space<vmem_shared>> -> memref<128x128xf32, #tpu.memory_space<vmem_shared>>
      tpu.enqueue_dma source(%arg5 : memref<128x128xf32, #tpu.memory_space<hbm>>) target(%dma_start3A_51 : memref<128x128xf32, #tpu.memory_space<vmem_shared>>) target_semaphore(%run_scoped3A : memref<!tpu.dma_semaphore, #tpu.memory_space<semaphore_mem>>)
      %dma_wait3A = arith.constant 0 : i32
      %dma_wait3A_52 = tpu.memref_slice %arg10[%add3A_20, %dma_wait3A] : memref<10240x128xf32, #tpu.memory_space<vmem_shared>> -> memref<128x128xf32, #tpu.memory_space<vmem_shared>>
      tpu.wait_dma2 semaphore(%run_scoped3A : memref<!tpu.dma_semaphore, #tpu.memory_space<semaphore_mem>>) src(%arg5 : memref<128x128xf32, #tpu.memory_space<hbm>>) dst(%dma_wait3A_52 : memref<128x128xf32, #tpu.memory_space<vmem_shared>>)
      tpu.yield
    }) : () -> ()
    %barrier3A = arith.constant 0 : index
    tpu.barrier barrier_id(%barrier3A)
    %mul3A_21 = arith.constant 80 : i32
    %mul3A_22 = arith.muli %add3A, %mul3A_21 : i32
    "tpu.region"() ({
      %run_scoped3A = tpu.sem_alloc : memref<!tpu.dma_semaphore, #tpu.memory_space<semaphore_mem>>
      %dma_start3A = arith.constant 0 : i32
      %dma_start3A_51 = tpu.memref_slice %arg3[%mul3A_22, %dma_start3A] : memref<2560x128xi32, #tpu.memory_space<hbm>> -> memref<80x128xi32, #tpu.memory_space<hbm>>
      %dma_start3A_52 = arith.constant 0 : i32
      %dma_start3A_53 = tpu.memref_slice %arg3[%mul3A_22, %dma_start3A_52] : memref<2560x128xi32, #tpu.memory_space<hbm>> -> memref<80x128xi32, #tpu.memory_space<hbm>>
      tpu.enqueue_dma source(%dma_start3A_53 : memref<80x128xi32, #tpu.memory_space<hbm>>) target(%arg7 : memref<80x128xi32, #tpu.memory_space<vmem>>) target_semaphore(%run_scoped3A : memref<!tpu.dma_semaphore, #tpu.memory_space<semaphore_mem>>)
      %dma_wait3A = arith.constant 0 : i32
      %dma_wait3A_54 = tpu.memref_slice %arg3[%mul3A_22, %dma_wait3A] : memref<2560x128xi32, #tpu.memory_space<hbm>> -> memref<80x128xi32, #tpu.memory_space<hbm>>
      %dma_wait3A_55 = arith.constant 0 : i32
      %dma_wait3A_56 = tpu.memref_slice %arg3[%mul3A_22, %dma_wait3A_55] : memref<2560x128xi32, #tpu.memory_space<hbm>> -> memref<80x128xi32, #tpu.memory_space<hbm>>
      tpu.wait_dma2 semaphore(%run_scoped3A : memref<!tpu.dma_semaphore, #tpu.memory_space<semaphore_mem>>) src(%dma_wait3A_56 : memref<80x128xi32, #tpu.memory_space<hbm>>) dst(%arg7 : memref<80x128xi32, #tpu.memory_space<vmem>>)
      tpu.yield
    }) : () -> ()
    %mul3A_23 = arith.constant 80 : i32
    %mul3A_24 = arith.muli %add3A, %mul3A_23 : i32
    "tpu.region"() ({
      %run_scoped3A = tpu.sem_alloc : memref<!tpu.dma_semaphore, #tpu.memory_space<semaphore_mem>>
      %dma_start3A = arith.constant 0 : i32
      %dma_start3A_51 = tpu.memref_slice %arg4[%mul3A_24, %dma_start3A] : memref<2560x128xi32, #tpu.memory_space<hbm>> -> memref<80x128xi32, #tpu.memory_space<hbm>>
      %dma_start3A_52 = arith.constant 0 : i32
      %dma_start3A_53 = tpu.memref_slice %arg4[%mul3A_24, %dma_start3A_52] : memref<2560x128xi32, #tpu.memory_space<hbm>> -> memref<80x128xi32, #tpu.memory_space<hbm>>
      tpu.enqueue_dma source(%dma_start3A_53 : memref<80x128xi32, #tpu.memory_space<hbm>>) target(%arg8 : memref<80x128xi32, #tpu.memory_space<vmem>>) target_semaphore(%run_scoped3A : memref<!tpu.dma_semaphore, #tpu.memory_space<semaphore_mem>>)
      %dma_wait3A = arith.constant 0 : i32
      %dma_wait3A_54 = tpu.memref_slice %arg4[%mul3A_24, %dma_wait3A] : memref<2560x128xi32, #tpu.memory_space<hbm>> -> memref<80x128xi32, #tpu.memory_space<hbm>>
      %dma_wait3A_55 = arith.constant 0 : i32
      %dma_wait3A_56 = tpu.memref_slice %arg4[%mul3A_24, %dma_wait3A_55] : memref<2560x128xi32, #tpu.memory_space<hbm>> -> memref<80x128xi32, #tpu.memory_space<hbm>>
      tpu.wait_dma2 semaphore(%run_scoped3A : memref<!tpu.dma_semaphore, #tpu.memory_space<semaphore_mem>>) src(%dma_wait3A_56 : memref<80x128xi32, #tpu.memory_space<hbm>>) dst(%arg8 : memref<80x128xi32, #tpu.memory_space<vmem>>)
      tpu.yield
    }) : () -> ()
    %scan3A = arith.constant 0 : i32
    %scan3A_25 = arith.constant 0 : i32
    %scan3A_26 = arith.constant 80 : i32
    %scan3A_27 = arith.addi %scan3A_25, %scan3A_26 : i32
    %scan3A_28 = arith.constant 1 : i32
    scf.for %scan3A_51 = %scan3A_25 to %scan3A_27 step %scan3A_28  : i32 {
      %dma_start3A = arith.constant 0 : i32
      %dma_start3A_52 = tpu.memref_slice %arg7[%scan3A_51, %dma_start3A] : memref<80x128xi32, #tpu.memory_space<vmem>> -> memref<1x128xi32, #tpu.memory_space<vmem>>
      %dma_start3A_53 = tpu.memref_squeeze %dma_start3A_52 : memref<1x128xi32, #tpu.memory_space<vmem>> -> memref<128xi32, #tpu.memory_space<vmem>>
      %dma_start3A_54 = arith.constant 0 : i32
      %dma_start3A_55 = arith.constant 0 : i32
      %dma_start3A_56 = tpu.memref_slice %arg2[%dma_start3A_54, %dma_start3A_55] : memref<10000x128xf32, #tpu.memory_space<hbm>> -> memref<10000x128xf32, #tpu.memory_space<hbm>>
      tpu.enqueue_indirect_dma source(%dma_start3A_56 : memref<10000x128xf32, #tpu.memory_space<hbm>>) target(%arg9 : memref<128x128xf32, #tpu.memory_space<vmem>>) offsets(%dma_start3A_53 : memref<128xi32, #tpu.memory_space<vmem>>) semaphore(%arg11 : memref<!tpu.dma_semaphore, #tpu.memory_space<semaphore_mem>>)
      %dma_wait3A = arith.constant 0 : i32
      %dma_wait3A_57 = tpu.memref_slice %arg7[%scan3A_51, %dma_wait3A] : memref<80x128xi32, #tpu.memory_space<vmem>> -> memref<1x128xi32, #tpu.memory_space<vmem>>
      %dma_wait3A_58 = tpu.memref_squeeze %dma_wait3A_57 : memref<1x128xi32, #tpu.memory_space<vmem>> -> memref<128xi32, #tpu.memory_space<vmem>>
      %dma_wait3A_59 = arith.constant 0 : i32
      %dma_wait3A_60 = arith.constant 0 : i32
      %dma_wait3A_61 = tpu.memref_slice %arg2[%dma_wait3A_59, %dma_wait3A_60] : memref<10000x128xf32, #tpu.memory_space<hbm>> -> memref<10000x128xf32, #tpu.memory_space<hbm>>
      tpu.wait_indirect_dma semaphore(%arg11 : memref<!tpu.dma_semaphore, #tpu.memory_space<semaphore_mem>>) src(%dma_wait3A_61 : memref<10000x128xf32, #tpu.memory_space<hbm>>) dst(%arg9 : memref<128x128xf32, #tpu.memory_space<vmem>>)
      "tpu.region"() ({
        %run_scoped3A = tpu.sem_alloc : memref<!tpu.dma_semaphore, #tpu.memory_space<semaphore_mem>>
        %dma_start3A_62 = arith.constant 0 : i32
        %dma_start3A_63 = tpu.memref_slice %arg8[%scan3A_51, %dma_start3A_62] : memref<80x128xi32, #tpu.memory_space<vmem>> -> memref<1x128xi32, #tpu.memory_space<vmem>>
        %dma_start3A_64 = tpu.memref_squeeze %dma_start3A_63 : memref<1x128xi32, #tpu.memory_space<vmem>> -> memref<128xi32, #tpu.memory_space<vmem>>
        %dma_start3A_65 = arith.constant 0 : i32
        %dma_start3A_66 = arith.constant 0 : i32
        %dma_start3A_67 = tpu.memref_slice %arg10[%dma_start3A_65, %dma_start3A_66] : memref<10240x128xf32, #tpu.memory_space<vmem_shared>> -> memref<10240x128xf32, #tpu.memory_space<vmem_shared>>
        tpu.enqueue_indirect_dma source(%arg9 : memref<128x128xf32, #tpu.memory_space<vmem>>) target(%dma_start3A_67 : memref<10240x128xf32, #tpu.memory_space<vmem_shared>>) offsets(%dma_start3A_64 : memref<128xi32, #tpu.memory_space<vmem>>) semaphore(%run_scoped3A : memref<!tpu.dma_semaphore, #tpu.memory_space<semaphore_mem>>) {add = true}
        %dma_wait3A_68 = arith.constant 0 : i32
        %dma_wait3A_69 = tpu.memref_slice %arg8[%scan3A_51, %dma_wait3A_68] : memref<80x128xi32, #tpu.memory_space<vmem>> -> memref<1x128xi32, #tpu.memory_space<vmem>>
        %dma_wait3A_70 = tpu.memref_squeeze %dma_wait3A_69 : memref<1x128xi32, #tpu.memory_space<vmem>> -> memref<128xi32, #tpu.memory_space<vmem>>
        %dma_wait3A_71 = arith.constant 0 : i32
        %dma_wait3A_72 = arith.constant 0 : i32
        %dma_wait3A_73 = tpu.memref_slice %arg10[%dma_wait3A_71, %dma_wait3A_72] : memref<10240x128xf32, #tpu.memory_space<vmem_shared>> -> memref<10240x128xf32, #tpu.memory_space<vmem_shared>>
        tpu.wait_indirect_dma semaphore(%run_scoped3A : memref<!tpu.dma_semaphore, #tpu.memory_space<semaphore_mem>>) src(%arg9 : memref<128x128xf32, #tpu.memory_space<vmem>>) dst(%dma_wait3A_73 : memref<10240x128xf32, #tpu.memory_space<vmem_shared>>)
        tpu.yield
      }) : () -> ()
    }
    %scan3A_29 = arith.constant 80 : i32
    %barrier3A_30 = arith.constant 0 : index
    tpu.barrier barrier_id(%barrier3A_30)
    %mul3A_31 = arith.constant 640 : i32
    %mul3A_32 = arith.muli %arg1, %mul3A_31 : i32
    %add3A_33 = arith.constant 0 : i32
    %add3A_34 = arith.addi %mul3A_32, %add3A_33 : i32
    "tpu.region"() ({
      %run_scoped3A = tpu.sem_alloc : memref<!tpu.dma_semaphore, #tpu.memory_space<semaphore_mem>>
      %dma_start3A = arith.constant 0 : i32
      %dma_start3A_51 = tpu.memref_slice %arg6[%arg0, %add3A_34, %dma_start3A] : memref<2x10240x128xf32, #tpu.memory_space<hbm>> -> memref<1x128x128xf32, #tpu.memory_space<hbm>>
      %dma_start3A_52 = tpu.memref_squeeze %dma_start3A_51 : memref<1x128x128xf32, #tpu.memory_space<hbm>> -> memref<128x128xf32, #tpu.memory_space<hbm>>
      %dma_start3A_53 = arith.constant 0 : i32
      %dma_start3A_54 = tpu.memref_slice %arg10[%add3A_34, %dma_start3A_53] : memref<10240x128xf32, #tpu.memory_space<vmem_shared>> -> memref<128x128xf32, #tpu.memory_space<vmem_shared>>
      tpu.enqueue_dma source(%dma_start3A_54 : memref<128x128xf32, #tpu.memory_space<vmem_shared>>) target(%dma_start3A_52 : memref<128x128xf32, #tpu.memory_space<hbm>>) target_semaphore(%run_scoped3A : memref<!tpu.dma_semaphore, #tpu.memory_space<semaphore_mem>>)
      %dma_wait3A = arith.constant 0 : i32
      %dma_wait3A_55 = tpu.memref_slice %arg6[%arg0, %add3A_34, %dma_wait3A] : memref<2x10240x128xf32, #tpu.memory_space<hbm>> -> memref<1x128x128xf32, #tpu.memory_space<hbm>>
      %dma_wait3A_56 = tpu.memref_squeeze %dma_wait3A_55 : memref<1x128x128xf32, #tpu.memory_space<hbm>> -> memref<128x128xf32, #tpu.memory_space<hbm>>
      %dma_wait3A_57 = arith.constant 0 : i32
      %dma_wait3A_58 = tpu.memref_slice %arg10[%add3A_34, %dma_wait3A_57] : memref<10240x128xf32, #tpu.memory_space<vmem_shared>> -> memref<128x128xf32, #tpu.memory_space<vmem_shared>>
      tpu.wait_dma2 semaphore(%run_scoped3A : memref<!tpu.dma_semaphore, #tpu.memory_space<semaphore_mem>>) src(%dma_wait3A_58 : memref<128x128xf32, #tpu.memory_space<vmem_shared>>) dst(%dma_wait3A_56 : memref<128x128xf32, #tpu.memory_space<hbm>>)
      tpu.yield
    }) : () -> ()
    %mul3A_35 = arith.constant 640 : i32
    %mul3A_36 = arith.muli %arg1, %mul3A_35 : i32
    %add3A_37 = arith.constant 128 : i32
    %add3A_38 = arith.addi %mul3A_36, %add3A_37 : i32
    "tpu.region"() ({
      %run_scoped3A = tpu.sem_alloc : memref<!tpu.dma_semaphore, #tpu.memory_space<semaphore_mem>>
      %dma_start3A = arith.constant 0 : i32
      %dma_start3A_51 = tpu.memref_slice %arg6[%arg0, %add3A_38, %dma_start3A] : memref<2x10240x128xf32, #tpu.memory_space<hbm>> -> memref<1x128x128xf32, #tpu.memory_space<hbm>>
      %dma_start3A_52 = tpu.memref_squeeze %dma_start3A_51 : memref<1x128x128xf32, #tpu.memory_space<hbm>> -> memref<128x128xf32, #tpu.memory_space<hbm>>
      %dma_start3A_53 = arith.constant 0 : i32
      %dma_start3A_54 = tpu.memref_slice %arg10[%add3A_38, %dma_start3A_53] : memref<10240x128xf32, #tpu.memory_space<vmem_shared>> -> memref<128x128xf32, #tpu.memory_space<vmem_shared>>
      tpu.enqueue_dma source(%dma_start3A_54 : memref<128x128xf32, #tpu.memory_space<vmem_shared>>) target(%dma_start3A_52 : memref<128x128xf32, #tpu.memory_space<hbm>>) target_semaphore(%run_scoped3A : memref<!tpu.dma_semaphore, #tpu.memory_space<semaphore_mem>>)
      %dma_wait3A = arith.constant 0 : i32
      %dma_wait3A_55 = tpu.memref_slice %arg6[%arg0, %add3A_38, %dma_wait3A] : memref<2x10240x128xf32, #tpu.memory_space<hbm>> -> memref<1x128x128xf32, #tpu.memory_space<hbm>>
      %dma_wait3A_56 = tpu.memref_squeeze %dma_wait3A_55 : memref<1x128x128xf32, #tpu.memory_space<hbm>> -> memref<128x128xf32, #tpu.memory_space<hbm>>
      %dma_wait3A_57 = arith.constant 0 : i32
      %dma_wait3A_58 = tpu.memref_slice %arg10[%add3A_38, %dma_wait3A_57] : memref<10240x128xf32, #tpu.memory_space<vmem_shared>> -> memref<128x128xf32, #tpu.memory_space<vmem_shared>>
      tpu.wait_dma2 semaphore(%run_scoped3A : memref<!tpu.dma_semaphore, #tpu.memory_space<semaphore_mem>>) src(%dma_wait3A_58 : memref<128x128xf32, #tpu.memory_space<vmem_shared>>) dst(%dma_wait3A_56 : memref<128x128xf32, #tpu.memory_space<hbm>>)
      tpu.yield
    }) : () -> ()
    %mul3A_39 = arith.constant 640 : i32
    %mul3A_40 = arith.muli %arg1, %mul3A_39 : i32
    %add3A_41 = arith.constant 256 : i32
    %add3A_42 = arith.addi %mul3A_40, %add3A_41 : i32
    "tpu.region"() ({
      %run_scoped3A = tpu.sem_alloc : memref<!tpu.dma_semaphore, #tpu.memory_space<semaphore_mem>>
      %dma_start3A = arith.constant 0 : i32
      %dma_start3A_51 = tpu.memref_slice %arg6[%arg0, %add3A_42, %dma_start3A] : memref<2x10240x128xf32, #tpu.memory_space<hbm>> -> memref<1x128x128xf32, #tpu.memory_space<hbm>>
      %dma_start3A_52 = tpu.memref_squeeze %dma_start3A_51 : memref<1x128x128xf32, #tpu.memory_space<hbm>> -> memref<128x128xf32, #tpu.memory_space<hbm>>
      %dma_start3A_53 = arith.constant 0 : i32
      %dma_start3A_54 = tpu.memref_slice %arg10[%add3A_42, %dma_start3A_53] : memref<10240x128xf32, #tpu.memory_space<vmem_shared>> -> memref<128x128xf32, #tpu.memory_space<vmem_shared>>
      tpu.enqueue_dma source(%dma_start3A_54 : memref<128x128xf32, #tpu.memory_space<vmem_shared>>) target(%dma_start3A_52 : memref<128x128xf32, #tpu.memory_space<hbm>>) target_semaphore(%run_scoped3A : memref<!tpu.dma_semaphore, #tpu.memory_space<semaphore_mem>>)
      %dma_wait3A = arith.constant 0 : i32
      %dma_wait3A_55 = tpu.memref_slice %arg6[%arg0, %add3A_42, %dma_wait3A] : memref<2x10240x128xf32, #tpu.memory_space<hbm>> -> memref<1x128x128xf32, #tpu.memory_space<hbm>>
      %dma_wait3A_56 = tpu.memref_squeeze %dma_wait3A_55 : memref<1x128x128xf32, #tpu.memory_space<hbm>> -> memref<128x128xf32, #tpu.memory_space<hbm>>
      %dma_wait3A_57 = arith.constant 0 : i32
      %dma_wait3A_58 = tpu.memref_slice %arg10[%add3A_42, %dma_wait3A_57] : memref<10240x128xf32, #tpu.memory_space<vmem_shared>> -> memref<128x128xf32, #tpu.memory_space<vmem_shared>>
      tpu.wait_dma2 semaphore(%run_scoped3A : memref<!tpu.dma_semaphore, #tpu.memory_space<semaphore_mem>>) src(%dma_wait3A_58 : memref<128x128xf32, #tpu.memory_space<vmem_shared>>) dst(%dma_wait3A_56 : memref<128x128xf32, #tpu.memory_space<hbm>>)
      tpu.yield
    }) : () -> ()
    %mul3A_43 = arith.constant 640 : i32
    %mul3A_44 = arith.muli %arg1, %mul3A_43 : i32
    %add3A_45 = arith.constant 384 : i32
    %add3A_46 = arith.addi %mul3A_44, %add3A_45 : i32
    "tpu.region"() ({
      %run_scoped3A = tpu.sem_alloc : memref<!tpu.dma_semaphore, #tpu.memory_space<semaphore_mem>>
      %dma_start3A = arith.constant 0 : i32
      %dma_start3A_51 = tpu.memref_slice %arg6[%arg0, %add3A_46, %dma_start3A] : memref<2x10240x128xf32, #tpu.memory_space<hbm>> -> memref<1x128x128xf32, #tpu.memory_space<hbm>>
      %dma_start3A_52 = tpu.memref_squeeze %dma_start3A_51 : memref<1x128x128xf32, #tpu.memory_space<hbm>> -> memref<128x128xf32, #tpu.memory_space<hbm>>
      %dma_start3A_53 = arith.constant 0 : i32
      %dma_start3A_54 = tpu.memref_slice %arg10[%add3A_46, %dma_start3A_53] : memref<10240x128xf32, #tpu.memory_space<vmem_shared>> -> memref<128x128xf32, #tpu.memory_space<vmem_shared>>
      tpu.enqueue_dma source(%dma_start3A_54 : memref<128x128xf32, #tpu.memory_space<vmem_shared>>) target(%dma_start3A_52 : memref<128x128xf32, #tpu.memory_space<hbm>>) target_semaphore(%run_scoped3A : memref<!tpu.dma_semaphore, #tpu.memory_space<semaphore_mem>>)
      %dma_wait3A = arith.constant 0 : i32
      %dma_wait3A_55 = tpu.memref_slice %arg6[%arg0, %add3A_46, %dma_wait3A] : memref<2x10240x128xf32, #tpu.memory_space<hbm>> -> memref<1x128x128xf32, #tpu.memory_space<hbm>>
      %dma_wait3A_56 = tpu.memref_squeeze %dma_wait3A_55 : memref<1x128x128xf32, #tpu.memory_space<hbm>> -> memref<128x128xf32, #tpu.memory_space<hbm>>
      %dma_wait3A_57 = arith.constant 0 : i32
      %dma_wait3A_58 = tpu.memref_slice %arg10[%add3A_46, %dma_wait3A_57] : memref<10240x128xf32, #tpu.memory_space<vmem_shared>> -> memref<128x128xf32, #tpu.memory_space<vmem_shared>>
      tpu.wait_dma2 semaphore(%run_scoped3A : memref<!tpu.dma_semaphore, #tpu.memory_space<semaphore_mem>>) src(%dma_wait3A_58 : memref<128x128xf32, #tpu.memory_space<vmem_shared>>) dst(%dma_wait3A_56 : memref<128x128xf32, #tpu.memory_space<hbm>>)
      tpu.yield
    }) : () -> ()
    %mul3A_47 = arith.constant 640 : i32
    %mul3A_48 = arith.muli %arg1, %mul3A_47 : i32
    %add3A_49 = arith.constant 512 : i32
    %add3A_50 = arith.addi %mul3A_48, %add3A_49 : i32
    "tpu.region"() ({
      %run_scoped3A = tpu.sem_alloc : memref<!tpu.dma_semaphore, #tpu.memory_space<semaphore_mem>>
      %dma_start3A = arith.constant 0 : i32
      %dma_start3A_51 = tpu.memref_slice %arg6[%arg0, %add3A_50, %dma_start3A] : memref<2x10240x128xf32, #tpu.memory_space<hbm>> -> memref<1x128x128xf32, #tpu.memory_space<hbm>>
      %dma_start3A_52 = tpu.memref_squeeze %dma_start3A_51 : memref<1x128x128xf32, #tpu.memory_space<hbm>> -> memref<128x128xf32, #tpu.memory_space<hbm>>
      %dma_start3A_53 = arith.constant 0 : i32
      %dma_start3A_54 = tpu.memref_slice %arg10[%add3A_50, %dma_start3A_53] : memref<10240x128xf32, #tpu.memory_space<vmem_shared>> -> memref<128x128xf32, #tpu.memory_space<vmem_shared>>
      tpu.enqueue_dma source(%dma_start3A_54 : memref<128x128xf32, #tpu.memory_space<vmem_shared>>) target(%dma_start3A_52 : memref<128x128xf32, #tpu.memory_space<hbm>>) target_semaphore(%run_scoped3A : memref<!tpu.dma_semaphore, #tpu.memory_space<semaphore_mem>>)
      %dma_wait3A = arith.constant 0 : i32
      %dma_wait3A_55 = tpu.memref_slice %arg6[%arg0, %add3A_50, %dma_wait3A] : memref<2x10240x128xf32, #tpu.memory_space<hbm>> -> memref<1x128x128xf32, #tpu.memory_space<hbm>>
      %dma_wait3A_56 = tpu.memref_squeeze %dma_wait3A_55 : memref<1x128x128xf32, #tpu.memory_space<hbm>> -> memref<128x128xf32, #tpu.memory_space<hbm>>
      %dma_wait3A_57 = arith.constant 0 : i32
      %dma_wait3A_58 = tpu.memref_slice %arg10[%add3A_50, %dma_wait3A_57] : memref<10240x128xf32, #tpu.memory_space<vmem_shared>> -> memref<128x128xf32, #tpu.memory_space<vmem_shared>>
      tpu.wait_dma2 semaphore(%run_scoped3A : memref<!tpu.dma_semaphore, #tpu.memory_space<semaphore_mem>>) src(%dma_wait3A_58 : memref<128x128xf32, #tpu.memory_space<vmem_shared>>) dst(%dma_wait3A_56 : memref<128x128xf32, #tpu.memory_space<hbm>>)
      tpu.yield
    }) : () -> ()
    return
  }
}

#map = affine_map<(d0, d1) -> (0, 0)>
#map1 = affine_map<(d0, d1) -> (0, 0, 0)>
module attributes {stable_mosaic.version = 14 : i64} {
  func.func @sc_scatter(%arg0: i32, %arg1: i32, %arg2: memref<10000x128xf32, #tpu.memory_space<hbm>>, %arg3: memref<2560x128xi32, #tpu.memory_space<hbm>>, %arg4: memref<2560x128xi32, #tpu.memory_space<hbm>>, %arg5: memref<128x128xf32, #tpu.memory_space<hbm>>, %arg6: memref<2x10240x128xf32, #tpu.memory_space<hbm>>, %arg7: memref<80x128xi32, #tpu.memory_space<vmem>>, %arg8: memref<80x128xi32, #tpu.memory_space<vmem>>, %arg9: memref<128x128xf32, #tpu.memory_space<vmem>>, %arg10: memref<10240x128xf32, #tpu.memory_space<vmem_shared>>, %arg11: memref<!tpu.dma_semaphore, #tpu.memory_space<semaphore_mem>>) attributes {dimension_semantics = [#tpu.dimension_semantics<core_parallel>, #tpu.dimension_semantics<subcore_parallel>], iteration_bounds = array<i64: 2, 16>, scalar_prefetch = 0 : i64, scratch_operands = 5 : i64, tpu.core_type = #tpu.core_type<sc_vector_subcore>, window_params = [{transform_indices = #map}, {transform_indices = #map}, {transform_indices = #map}, {transform_indices = #map}, {transform_indices = #map1}]} {
    %mul3A = arith.constant 2 : i32
    %mul3A_0 = arith.muli %arg1, %mul3A : i32
    %add3A = arith.addi %mul3A_0, %arg0 : i32
    %mul3A_1 = arith.constant 640 : i32
    %mul3A_2 = arith.muli %arg1, %mul3A_1 : i32
    %add3A_3 = arith.constant 0 : i32
    %add3A_4 = arith.addi %mul3A_2, %add3A_3 : i32
    "tpu.region"() ({
      %run_scoped3A = tpu.sem_alloc : memref<!tpu.dma_semaphore, #tpu.memory_space<semaphore_mem>>
      %dma_start3A = arith.constant 0 : i32
      %dma_start3A_51 = tpu.memref_slice %arg10[%add3A_4, %dma_start3A] : memref<10240x128xf32, #tpu.memory_space<vmem_shared>> -> memref<128x128xf32, #tpu.memory_space<vmem_shared>>
      tpu.enqueue_dma source(%arg5 : memref<128x128xf32, #tpu.memory_space<hbm>>) target(%dma_start3A_51 : memref<128x128xf32, #tpu.memory_space<vmem_shared>>) target_semaphore(%run_scoped3A : memref<!tpu.dma_semaphore, #tpu.memory_space<semaphore_mem>>)
      %dma_wait3A = arith.constant 0 : i32
      %dma_wait3A_52 = tpu.memref_slice %arg10[%add3A_4, %dma_wait3A] : memref<10240x128xf32, #tpu.memory_space<vmem_shared>> -> memref<128x128xf32, #tpu.memory_space<vmem_shared>>
      tpu.wait_dma2 semaphore(%run_scoped3A : memref<!tpu.dma_semaphore, #tpu.memory_space<semaphore_mem>>) src(%arg5 : memref<128x128xf32, #tpu.memory_space<hbm>>) dst(%dma_wait3A_52 : memref<128x128xf32, #tpu.memory_space<vmem_shared>>)
      tpu.yield
    }) : () -> ()
    %mul3A_5 = arith.constant 640 : i32
    %mul3A_6 = arith.muli %arg1, %mul3A_5 : i32
    %add3A_7 = arith.constant 128 : i32
    %add3A_8 = arith.addi %mul3A_6, %add3A_7 : i32
    "tpu.region"() ({
      %run_scoped3A = tpu.sem_alloc : memref<!tpu.dma_semaphore, #tpu.memory_space<semaphore_mem>>
      %dma_start3A = arith.constant 0 : i32
      %dma_start3A_51 = tpu.memref_slice %arg10[%add3A_8, %dma_start3A] : memref<10240x128xf32, #tpu.memory_space<vmem_shared>> -> memref<128x128xf32, #tpu.memory_space<vmem_shared>>
      tpu.enqueue_dma source(%arg5 : memref<128x128xf32, #tpu.memory_space<hbm>>) target(%dma_start3A_51 : memref<128x128xf32, #tpu.memory_space<vmem_shared>>) target_semaphore(%run_scoped3A : memref<!tpu.dma_semaphore, #tpu.memory_space<semaphore_mem>>)
      %dma_wait3A = arith.constant 0 : i32
      %dma_wait3A_52 = tpu.memref_slice %arg10[%add3A_8, %dma_wait3A] : memref<10240x128xf32, #tpu.memory_space<vmem_shared>> -> memref<128x128xf32, #tpu.memory_space<vmem_shared>>
      tpu.wait_dma2 semaphore(%run_scoped3A : memref<!tpu.dma_semaphore, #tpu.memory_space<semaphore_mem>>) src(%arg5 : memref<128x128xf32, #tpu.memory_space<hbm>>) dst(%dma_wait3A_52 : memref<128x128xf32, #tpu.memory_space<vmem_shared>>)
      tpu.yield
    }) : () -> ()
    %mul3A_9 = arith.constant 640 : i32
    %mul3A_10 = arith.muli %arg1, %mul3A_9 : i32
    %add3A_11 = arith.constant 256 : i32
    %add3A_12 = arith.addi %mul3A_10, %add3A_11 : i32
    "tpu.region"() ({
      %run_scoped3A = tpu.sem_alloc : memref<!tpu.dma_semaphore, #tpu.memory_space<semaphore_mem>>
      %dma_start3A = arith.constant 0 : i32
      %dma_start3A_51 = tpu.memref_slice %arg10[%add3A_12, %dma_start3A] : memref<10240x128xf32, #tpu.memory_space<vmem_shared>> -> memref<128x128xf32, #tpu.memory_space<vmem_shared>>
      tpu.enqueue_dma source(%arg5 : memref<128x128xf32, #tpu.memory_space<hbm>>) target(%dma_start3A_51 : memref<128x128xf32, #tpu.memory_space<vmem_shared>>) target_semaphore(%run_scoped3A : memref<!tpu.dma_semaphore, #tpu.memory_space<semaphore_mem>>)
      %dma_wait3A = arith.constant 0 : i32
      %dma_wait3A_52 = tpu.memref_slice %arg10[%add3A_12, %dma_wait3A] : memref<10240x128xf32, #tpu.memory_space<vmem_shared>> -> memref<128x128xf32, #tpu.memory_space<vmem_shared>>
      tpu.wait_dma2 semaphore(%run_scoped3A : memref<!tpu.dma_semaphore, #tpu.memory_space<semaphore_mem>>) src(%arg5 : memref<128x128xf32, #tpu.memory_space<hbm>>) dst(%dma_wait3A_52 : memref<128x128xf32, #tpu.memory_space<vmem_shared>>)
      tpu.yield
    }) : () -> ()
    %mul3A_13 = arith.constant 640 : i32
    %mul3A_14 = arith.muli %arg1, %mul3A_13 : i32
    %add3A_15 = arith.constant 384 : i32
    %add3A_16 = arith.addi %mul3A_14, %add3A_15 : i32
    "tpu.region"() ({
      %run_scoped3A = tpu.sem_alloc : memref<!tpu.dma_semaphore, #tpu.memory_space<semaphore_mem>>
      %dma_start3A = arith.constant 0 : i32
      %dma_start3A_51 = tpu.memref_slice %arg10[%add3A_16, %dma_start3A] : memref<10240x128xf32, #tpu.memory_space<vmem_shared>> -> memref<128x128xf32, #tpu.memory_space<vmem_shared>>
      tpu.enqueue_dma source(%arg5 : memref<128x128xf32, #tpu.memory_space<hbm>>) target(%dma_start3A_51 : memref<128x128xf32, #tpu.memory_space<vmem_shared>>) target_semaphore(%run_scoped3A : memref<!tpu.dma_semaphore, #tpu.memory_space<semaphore_mem>>)
      %dma_wait3A = arith.constant 0 : i32
      %dma_wait3A_52 = tpu.memref_slice %arg10[%add3A_16, %dma_wait3A] : memref<10240x128xf32, #tpu.memory_space<vmem_shared>> -> memref<128x128xf32, #tpu.memory_space<vmem_shared>>
      tpu.wait_dma2 semaphore(%run_scoped3A : memref<!tpu.dma_semaphore, #tpu.memory_space<semaphore_mem>>) src(%arg5 : memref<128x128xf32, #tpu.memory_space<hbm>>) dst(%dma_wait3A_52 : memref<128x128xf32, #tpu.memory_space<vmem_shared>>)
      tpu.yield
    }) : () -> ()
    %mul3A_17 = arith.constant 640 : i32
    %mul3A_18 = arith.muli %arg1, %mul3A_17 : i32
    %add3A_19 = arith.constant 512 : i32
    %add3A_20 = arith.addi %mul3A_18, %add3A_19 : i32
    "tpu.region"() ({
      %run_scoped3A = tpu.sem_alloc : memref<!tpu.dma_semaphore, #tpu.memory_space<semaphore_mem>>
      %dma_start3A = arith.constant 0 : i32
      %dma_start3A_51 = tpu.memref_slice %arg10[%add3A_20, %dma_start3A] : memref<10240x128xf32, #tpu.memory_space<vmem_shared>> -> memref<128x128xf32, #tpu.memory_space<vmem_shared>>
      tpu.enqueue_dma source(%arg5 : memref<128x128xf32, #tpu.memory_space<hbm>>) target(%dma_start3A_51 : memref<128x128xf32, #tpu.memory_space<vmem_shared>>) target_semaphore(%run_scoped3A : memref<!tpu.dma_semaphore, #tpu.memory_space<semaphore_mem>>)
      %dma_wait3A = arith.constant 0 : i32
      %dma_wait3A_52 = tpu.memref_slice %arg10[%add3A_20, %dma_wait3A] : memref<10240x128xf32, #tpu.memory_space<vmem_shared>> -> memref<128x128xf32, #tpu.memory_space<vmem_shared>>
      tpu.wait_dma2 semaphore(%run_scoped3A : memref<!tpu.dma_semaphore, #tpu.memory_space<semaphore_mem>>) src(%arg5 : memref<128x128xf32, #tpu.memory_space<hbm>>) dst(%dma_wait3A_52 : memref<128x128xf32, #tpu.memory_space<vmem_shared>>)
      tpu.yield
    }) : () -> ()
    %barrier3A = arith.constant 0 : index
    tpu.barrier barrier_id(%barrier3A)
    %mul3A_21 = arith.constant 80 : i32
    %mul3A_22 = arith.muli %add3A, %mul3A_21 : i32
    "tpu.region"() ({
      %run_scoped3A = tpu.sem_alloc : memref<!tpu.dma_semaphore, #tpu.memory_space<semaphore_mem>>
      %dma_start3A = arith.constant 0 : i32
      %dma_start3A_51 = tpu.memref_slice %arg3[%mul3A_22, %dma_start3A] : memref<2560x128xi32, #tpu.memory_space<hbm>> -> memref<80x128xi32, #tpu.memory_space<hbm>>
      %dma_start3A_52 = arith.constant 0 : i32
      %dma_start3A_53 = tpu.memref_slice %arg3[%mul3A_22, %dma_start3A_52] : memref<2560x128xi32, #tpu.memory_space<hbm>> -> memref<80x128xi32, #tpu.memory_space<hbm>>
      tpu.enqueue_dma source(%dma_start3A_53 : memref<80x128xi32, #tpu.memory_space<hbm>>) target(%arg7 : memref<80x128xi32, #tpu.memory_space<vmem>>) target_semaphore(%run_scoped3A : memref<!tpu.dma_semaphore, #tpu.memory_space<semaphore_mem>>)
      %dma_wait3A = arith.constant 0 : i32
      %dma_wait3A_54 = tpu.memref_slice %arg3[%mul3A_22, %dma_wait3A] : memref<2560x128xi32, #tpu.memory_space<hbm>> -> memref<80x128xi32, #tpu.memory_space<hbm>>
      %dma_wait3A_55 = arith.constant 0 : i32
      %dma_wait3A_56 = tpu.memref_slice %arg3[%mul3A_22, %dma_wait3A_55] : memref<2560x128xi32, #tpu.memory_space<hbm>> -> memref<80x128xi32, #tpu.memory_space<hbm>>
      tpu.wait_dma2 semaphore(%run_scoped3A : memref<!tpu.dma_semaphore, #tpu.memory_space<semaphore_mem>>) src(%dma_wait3A_56 : memref<80x128xi32, #tpu.memory_space<hbm>>) dst(%arg7 : memref<80x128xi32, #tpu.memory_space<vmem>>)
      tpu.yield
    }) : () -> ()
    %mul3A_23 = arith.constant 80 : i32
    %mul3A_24 = arith.muli %add3A, %mul3A_23 : i32
    "tpu.region"() ({
      %run_scoped3A = tpu.sem_alloc : memref<!tpu.dma_semaphore, #tpu.memory_space<semaphore_mem>>
      %dma_start3A = arith.constant 0 : i32
      %dma_start3A_51 = tpu.memref_slice %arg4[%mul3A_24, %dma_start3A] : memref<2560x128xi32, #tpu.memory_space<hbm>> -> memref<80x128xi32, #tpu.memory_space<hbm>>
      %dma_start3A_52 = arith.constant 0 : i32
      %dma_start3A_53 = tpu.memref_slice %arg4[%mul3A_24, %dma_start3A_52] : memref<2560x128xi32, #tpu.memory_space<hbm>> -> memref<80x128xi32, #tpu.memory_space<hbm>>
      tpu.enqueue_dma source(%dma_start3A_53 : memref<80x128xi32, #tpu.memory_space<hbm>>) target(%arg8 : memref<80x128xi32, #tpu.memory_space<vmem>>) target_semaphore(%run_scoped3A : memref<!tpu.dma_semaphore, #tpu.memory_space<semaphore_mem>>)
      %dma_wait3A = arith.constant 0 : i32
      %dma_wait3A_54 = tpu.memref_slice %arg4[%mul3A_24, %dma_wait3A] : memref<2560x128xi32, #tpu.memory_space<hbm>> -> memref<80x128xi32, #tpu.memory_space<hbm>>
      %dma_wait3A_55 = arith.constant 0 : i32
      %dma_wait3A_56 = tpu.memref_slice %arg4[%mul3A_24, %dma_wait3A_55] : memref<2560x128xi32, #tpu.memory_space<hbm>> -> memref<80x128xi32, #tpu.memory_space<hbm>>
      tpu.wait_dma2 semaphore(%run_scoped3A : memref<!tpu.dma_semaphore, #tpu.memory_space<semaphore_mem>>) src(%dma_wait3A_56 : memref<80x128xi32, #tpu.memory_space<hbm>>) dst(%arg8 : memref<80x128xi32, #tpu.memory_space<vmem>>)
      tpu.yield
    }) : () -> ()
    %scan3A = arith.constant 0 : i32
    %scan3A_25 = arith.constant 0 : i32
    %scan3A_26 = arith.constant 80 : i32
    %scan3A_27 = arith.addi %scan3A_25, %scan3A_26 : i32
    %scan3A_28 = arith.constant 1 : i32
    scf.for %scan3A_51 = %scan3A_25 to %scan3A_27 step %scan3A_28  : i32 {
      %dma_start3A = arith.constant 0 : i32
      %dma_start3A_52 = tpu.memref_slice %arg7[%scan3A_51, %dma_start3A] : memref<80x128xi32, #tpu.memory_space<vmem>> -> memref<1x128xi32, #tpu.memory_space<vmem>>
      %dma_start3A_53 = tpu.memref_squeeze %dma_start3A_52 : memref<1x128xi32, #tpu.memory_space<vmem>> -> memref<128xi32, #tpu.memory_space<vmem>>
      %dma_start3A_54 = arith.constant 0 : i32
      %dma_start3A_55 = arith.constant 0 : i32
      %dma_start3A_56 = tpu.memref_slice %arg2[%dma_start3A_54, %dma_start3A_55] : memref<10000x128xf32, #tpu.memory_space<hbm>> -> memref<10000x128xf32, #tpu.memory_space<hbm>>
      tpu.enqueue_indirect_dma source(%dma_start3A_56 : memref<10000x128xf32, #tpu.memory_space<hbm>>) target(%arg9 : memref<128x128xf32, #tpu.memory_space<vmem>>) offsets(%dma_start3A_53 : memref<128xi32, #tpu.memory_space<vmem>>) semaphore(%arg11 : memref<!tpu.dma_semaphore, #tpu.memory_space<semaphore_mem>>)
      %dma_wait3A = arith.constant 0 : i32
      %dma_wait3A_57 = tpu.memref_slice %arg7[%scan3A_51, %dma_wait3A] : memref<80x128xi32, #tpu.memory_space<vmem>> -> memref<1x128xi32, #tpu.memory_space<vmem>>
      %dma_wait3A_58 = tpu.memref_squeeze %dma_wait3A_57 : memref<1x128xi32, #tpu.memory_space<vmem>> -> memref<128xi32, #tpu.memory_space<vmem>>
      %dma_wait3A_59 = arith.constant 0 : i32
      %dma_wait3A_60 = arith.constant 0 : i32
      %dma_wait3A_61 = tpu.memref_slice %arg2[%dma_wait3A_59, %dma_wait3A_60] : memref<10000x128xf32, #tpu.memory_space<hbm>> -> memref<10000x128xf32, #tpu.memory_space<hbm>>
      tpu.wait_indirect_dma semaphore(%arg11 : memref<!tpu.dma_semaphore, #tpu.memory_space<semaphore_mem>>) src(%dma_wait3A_61 : memref<10000x128xf32, #tpu.memory_space<hbm>>) dst(%arg9 : memref<128x128xf32, #tpu.memory_space<vmem>>)
      "tpu.region"() ({
        %run_scoped3A = tpu.sem_alloc : memref<!tpu.dma_semaphore, #tpu.memory_space<semaphore_mem>>
        %dma_start3A_62 = arith.constant 0 : i32
        %dma_start3A_63 = tpu.memref_slice %arg8[%scan3A_51, %dma_start3A_62] : memref<80x128xi32, #tpu.memory_space<vmem>> -> memref<1x128xi32, #tpu.memory_space<vmem>>
        %dma_start3A_64 = tpu.memref_squeeze %dma_start3A_63 : memref<1x128xi32, #tpu.memory_space<vmem>> -> memref<128xi32, #tpu.memory_space<vmem>>
        %dma_start3A_65 = arith.constant 0 : i32
        %dma_start3A_66 = arith.constant 0 : i32
        %dma_start3A_67 = tpu.memref_slice %arg10[%dma_start3A_65, %dma_start3A_66] : memref<10240x128xf32, #tpu.memory_space<vmem_shared>> -> memref<10240x128xf32, #tpu.memory_space<vmem_shared>>
        tpu.enqueue_indirect_dma source(%arg9 : memref<128x128xf32, #tpu.memory_space<vmem>>) target(%dma_start3A_67 : memref<10240x128xf32, #tpu.memory_space<vmem_shared>>) offsets(%dma_start3A_64 : memref<128xi32, #tpu.memory_space<vmem>>) semaphore(%run_scoped3A : memref<!tpu.dma_semaphore, #tpu.memory_space<semaphore_mem>>) {add = true}
        %dma_wait3A_68 = arith.constant 0 : i32
        %dma_wait3A_69 = tpu.memref_slice %arg8[%scan3A_51, %dma_wait3A_68] : memref<80x128xi32, #tpu.memory_space<vmem>> -> memref<1x128xi32, #tpu.memory_space<vmem>>
        %dma_wait3A_70 = tpu.memref_squeeze %dma_wait3A_69 : memref<1x128xi32, #tpu.memory_space<vmem>> -> memref<128xi32, #tpu.memory_space<vmem>>
        %dma_wait3A_71 = arith.constant 0 : i32
        %dma_wait3A_72 = arith.constant 0 : i32
        %dma_wait3A_73 = tpu.memref_slice %arg10[%dma_wait3A_71, %dma_wait3A_72] : memref<10240x128xf32, #tpu.memory_space<vmem_shared>> -> memref<10240x128xf32, #tpu.memory_space<vmem_shared>>
        tpu.wait_indirect_dma semaphore(%run_scoped3A : memref<!tpu.dma_semaphore, #tpu.memory_space<semaphore_mem>>) src(%arg9 : memref<128x128xf32, #tpu.memory_space<vmem>>) dst(%dma_wait3A_73 : memref<10240x128xf32, #tpu.memory_space<vmem_shared>>)
        tpu.yield
      }) : () -> ()
    }
    %scan3A_29 = arith.constant 80 : i32
    %barrier3A_30 = arith.constant 0 : index
    tpu.barrier barrier_id(%barrier3A_30)
    %mul3A_31 = arith.constant 640 : i32
    %mul3A_32 = arith.muli %arg1, %mul3A_31 : i32
    %add3A_33 = arith.constant 0 : i32
    %add3A_34 = arith.addi %mul3A_32, %add3A_33 : i32
    "tpu.region"() ({
      %run_scoped3A = tpu.sem_alloc : memref<!tpu.dma_semaphore, #tpu.memory_space<semaphore_mem>>
      %dma_start3A = arith.constant 0 : i32
      %dma_start3A_51 = tpu.memref_slice %arg6[%arg0, %add3A_34, %dma_start3A] : memref<2x10240x128xf32, #tpu.memory_space<hbm>> -> memref<1x128x128xf32, #tpu.memory_space<hbm>>
      %dma_start3A_52 = tpu.memref_squeeze %dma_start3A_51 : memref<1x128x128xf32, #tpu.memory_space<hbm>> -> memref<128x128xf32, #tpu.memory_space<hbm>>
      %dma_start3A_53 = arith.constant 0 : i32
      %dma_start3A_54 = tpu.memref_slice %arg10[%add3A_34, %dma_start3A_53] : memref<10240x128xf32, #tpu.memory_space<vmem_shared>> -> memref<128x128xf32, #tpu.memory_space<vmem_shared>>
      tpu.enqueue_dma source(%dma_start3A_54 : memref<128x128xf32, #tpu.memory_space<vmem_shared>>) target(%dma_start3A_52 : memref<128x128xf32, #tpu.memory_space<hbm>>) target_semaphore(%run_scoped3A : memref<!tpu.dma_semaphore, #tpu.memory_space<semaphore_mem>>)
      %dma_wait3A = arith.constant 0 : i32
      %dma_wait3A_55 = tpu.memref_slice %arg6[%arg0, %add3A_34, %dma_wait3A] : memref<2x10240x128xf32, #tpu.memory_space<hbm>> -> memref<1x128x128xf32, #tpu.memory_space<hbm>>
      %dma_wait3A_56 = tpu.memref_squeeze %dma_wait3A_55 : memref<1x128x128xf32, #tpu.memory_space<hbm>> -> memref<128x128xf32, #tpu.memory_space<hbm>>
      %dma_wait3A_57 = arith.constant 0 : i32
      %dma_wait3A_58 = tpu.memref_slice %arg10[%add3A_34, %dma_wait3A_57] : memref<10240x128xf32, #tpu.memory_space<vmem_shared>> -> memref<128x128xf32, #tpu.memory_space<vmem_shared>>
      tpu.wait_dma2 semaphore(%run_scoped3A : memref<!tpu.dma_semaphore, #tpu.memory_space<semaphore_mem>>) src(%dma_wait3A_58 : memref<128x128xf32, #tpu.memory_space<vmem_shared>>) dst(%dma_wait3A_56 : memref<128x128xf32, #tpu.memory_space<hbm>>)
      tpu.yield
    }) : () -> ()
    %mul3A_35 = arith.constant 640 : i32
    %mul3A_36 = arith.muli %arg1, %mul3A_35 : i32
    %add3A_37 = arith.constant 128 : i32
    %add3A_38 = arith.addi %mul3A_36, %add3A_37 : i32
    "tpu.region"() ({
      %run_scoped3A = tpu.sem_alloc : memref<!tpu.dma_semaphore, #tpu.memory_space<semaphore_mem>>
      %dma_start3A = arith.constant 0 : i32
      %dma_start3A_51 = tpu.memref_slice %arg6[%arg0, %add3A_38, %dma_start3A] : memref<2x10240x128xf32, #tpu.memory_space<hbm>> -> memref<1x128x128xf32, #tpu.memory_space<hbm>>
      %dma_start3A_52 = tpu.memref_squeeze %dma_start3A_51 : memref<1x128x128xf32, #tpu.memory_space<hbm>> -> memref<128x128xf32, #tpu.memory_space<hbm>>
      %dma_start3A_53 = arith.constant 0 : i32
      %dma_start3A_54 = tpu.memref_slice %arg10[%add3A_38, %dma_start3A_53] : memref<10240x128xf32, #tpu.memory_space<vmem_shared>> -> memref<128x128xf32, #tpu.memory_space<vmem_shared>>
      tpu.enqueue_dma source(%dma_start3A_54 : memref<128x128xf32, #tpu.memory_space<vmem_shared>>) target(%dma_start3A_52 : memref<128x128xf32, #tpu.memory_space<hbm>>) target_semaphore(%run_scoped3A : memref<!tpu.dma_semaphore, #tpu.memory_space<semaphore_mem>>)
      %dma_wait3A = arith.constant 0 : i32
      %dma_wait3A_55 = tpu.memref_slice %arg6[%arg0, %add3A_38, %dma_wait3A] : memref<2x10240x128xf32, #tpu.memory_space<hbm>> -> memref<1x128x128xf32, #tpu.memory_space<hbm>>
      %dma_wait3A_56 = tpu.memref_squeeze %dma_wait3A_55 : memref<1x128x128xf32, #tpu.memory_space<hbm>> -> memref<128x128xf32, #tpu.memory_space<hbm>>
      %dma_wait3A_57 = arith.constant 0 : i32
      %dma_wait3A_58 = tpu.memref_slice %arg10[%add3A_38, %dma_wait3A_57] : memref<10240x128xf32, #tpu.memory_space<vmem_shared>> -> memref<128x128xf32, #tpu.memory_space<vmem_shared>>
      tpu.wait_dma2 semaphore(%run_scoped3A : memref<!tpu.dma_semaphore, #tpu.memory_space<semaphore_mem>>) src(%dma_wait3A_58 : memref<128x128xf32, #tpu.memory_space<vmem_shared>>) dst(%dma_wait3A_56 : memref<128x128xf32, #tpu.memory_space<hbm>>)
      tpu.yield
    }) : () -> ()
    %mul3A_39 = arith.constant 640 : i32
    %mul3A_40 = arith.muli %arg1, %mul3A_39 : i32
    %add3A_41 = arith.constant 256 : i32
    %add3A_42 = arith.addi %mul3A_40, %add3A_41 : i32
    "tpu.region"() ({
      %run_scoped3A = tpu.sem_alloc : memref<!tpu.dma_semaphore, #tpu.memory_space<semaphore_mem>>
      %dma_start3A = arith.constant 0 : i32
      %dma_start3A_51 = tpu.memref_slice %arg6[%arg0, %add3A_42, %dma_start3A] : memref<2x10240x128xf32, #tpu.memory_space<hbm>> -> memref<1x128x128xf32, #tpu.memory_space<hbm>>
      %dma_start3A_52 = tpu.memref_squeeze %dma_start3A_51 : memref<1x128x128xf32, #tpu.memory_space<hbm>> -> memref<128x128xf32, #tpu.memory_space<hbm>>
      %dma_start3A_53 = arith.constant 0 : i32
      %dma_start3A_54 = tpu.memref_slice %arg10[%add3A_42, %dma_start3A_53] : memref<10240x128xf32, #tpu.memory_space<vmem_shared>> -> memref<128x128xf32, #tpu.memory_space<vmem_shared>>
      tpu.enqueue_dma source(%dma_start3A_54 : memref<128x128xf32, #tpu.memory_space<vmem_shared>>) target(%dma_start3A_52 : memref<128x128xf32, #tpu.memory_space<hbm>>) target_semaphore(%run_scoped3A : memref<!tpu.dma_semaphore, #tpu.memory_space<semaphore_mem>>)
      %dma_wait3A = arith.constant 0 : i32
      %dma_wait3A_55 = tpu.memref_slice %arg6[%arg0, %add3A_42, %dma_wait3A] : memref<2x10240x128xf32, #tpu.memory_space<hbm>> -> memref<1x128x128xf32, #tpu.memory_space<hbm>>
      %dma_wait3A_56 = tpu.memref_squeeze %dma_wait3A_55 : memref<1x128x128xf32, #tpu.memory_space<hbm>> -> memref<128x128xf32, #tpu.memory_space<hbm>>
      %dma_wait3A_57 = arith.constant 0 : i32
      %dma_wait3A_58 = tpu.memref_slice %arg10[%add3A_42, %dma_wait3A_57] : memref<10240x128xf32, #tpu.memory_space<vmem_shared>> -> memref<128x128xf32, #tpu.memory_space<vmem_shared>>
      tpu.wait_dma2 semaphore(%run_scoped3A : memref<!tpu.dma_semaphore, #tpu.memory_space<semaphore_mem>>) src(%dma_wait3A_58 : memref<128x128xf32, #tpu.memory_space<vmem_shared>>) dst(%dma_wait3A_56 : memref<128x128xf32, #tpu.memory_space<hbm>>)
      tpu.yield
    }) : () -> ()
    %mul3A_43 = arith.constant 640 : i32
    %mul3A_44 = arith.muli %arg1, %mul3A_43 : i32
    %add3A_45 = arith.constant 384 : i32
    %add3A_46 = arith.addi %mul3A_44, %add3A_45 : i32
    "tpu.region"() ({
      %run_scoped3A = tpu.sem_alloc : memref<!tpu.dma_semaphore, #tpu.memory_space<semaphore_mem>>
      %dma_start3A = arith.constant 0 : i32
      %dma_start3A_51 = tpu.memref_slice %arg6[%arg0, %add3A_46, %dma_start3A] : memref<2x10240x128xf32, #tpu.memory_space<hbm>> -> memref<1x128x128xf32, #tpu.memory_space<hbm>>
      %dma_start3A_52 = tpu.memref_squeeze %dma_start3A_51 : memref<1x128x128xf32, #tpu.memory_space<hbm>> -> memref<128x128xf32, #tpu.memory_space<hbm>>
      %dma_start3A_53 = arith.constant 0 : i32
      %dma_start3A_54 = tpu.memref_slice %arg10[%add3A_46, %dma_start3A_53] : memref<10240x128xf32, #tpu.memory_space<vmem_shared>> -> memref<128x128xf32, #tpu.memory_space<vmem_shared>>
      tpu.enqueue_dma source(%dma_start3A_54 : memref<128x128xf32, #tpu.memory_space<vmem_shared>>) target(%dma_start3A_52 : memref<128x128xf32, #tpu.memory_space<hbm>>) target_semaphore(%run_scoped3A : memref<!tpu.dma_semaphore, #tpu.memory_space<semaphore_mem>>)
      %dma_wait3A = arith.constant 0 : i32
      %dma_wait3A_55 = tpu.memref_slice %arg6[%arg0, %add3A_46, %dma_wait3A] : memref<2x10240x128xf32, #tpu.memory_space<hbm>> -> memref<1x128x128xf32, #tpu.memory_space<hbm>>
      %dma_wait3A_56 = tpu.memref_squeeze %dma_wait3A_55 : memref<1x128x128xf32, #tpu.memory_space<hbm>> -> memref<128x128xf32, #tpu.memory_space<hbm>>
      %dma_wait3A_57 = arith.constant 0 : i32
      %dma_wait3A_58 = tpu.memref_slice %arg10[%add3A_46, %dma_wait3A_57] : memref<10240x128xf32, #tpu.memory_space<vmem_shared>> -> memref<128x128xf32, #tpu.memory_space<vmem_shared>>
      tpu.wait_dma2 semaphore(%run_scoped3A : memref<!tpu.dma_semaphore, #tpu.memory_space<semaphore_mem>>) src(%dma_wait3A_58 : memref<128x128xf32, #tpu.memory_space<vmem_shared>>) dst(%dma_wait3A_56 : memref<128x128xf32, #tpu.memory_space<hbm>>)
      tpu.yield
    }) : () -> ()
    %mul3A_47 = arith.constant 640 : i32
    %mul3A_48 = arith.muli %arg1, %mul3A_47 : i32
    %add3A_49 = arith.constant 512 : i32
    %add3A_50 = arith.addi %mul3A_48, %add3A_49 : i32
    "tpu.region"() ({
      %run_scoped3A = tpu.sem_alloc : memref<!tpu.dma_semaphore, #tpu.memory_space<semaphore_mem>>
      %dma_start3A = arith.constant 0 : i32
      %dma_start3A_51 = tpu.memref_slice %arg6[%arg0, %add3A_50, %dma_start3A] : memref<2x10240x128xf32, #tpu.memory_space<hbm>> -> memref<1x128x128xf32, #tpu.memory_space<hbm>>
      %dma_start3A_52 = tpu.memref_squeeze %dma_start3A_51 : memref<1x128x128xf32, #tpu.memory_space<hbm>> -> memref<128x128xf32, #tpu.memory_space<hbm>>
      %dma_start3A_53 = arith.constant 0 : i32
      %dma_start3A_54 = tpu.memref_slice %arg10[%add3A_50, %dma_start3A_53] : memref<10240x128xf32, #tpu.memory_space<vmem_shared>> -> memref<128x128xf32, #tpu.memory_space<vmem_shared>>
      tpu.enqueue_dma source(%dma_start3A_54 : memref<128x128xf32, #tpu.memory_space<vmem_shared>>) target(%dma_start3A_52 : memref<128x128xf32, #tpu.memory_space<hbm>>) target_semaphore(%run_scoped3A : memref<!tpu.dma_semaphore, #tpu.memory_space<semaphore_mem>>)
      %dma_wait3A = arith.constant 0 : i32
      %dma_wait3A_55 = tpu.memref_slice %arg6[%arg0, %add3A_50, %dma_wait3A] : memref<2x10240x128xf32, #tpu.memory_space<hbm>> -> memref<1x128x128xf32, #tpu.memory_space<hbm>>
      %dma_wait3A_56 = tpu.memref_squeeze %dma_wait3A_55 : memref<1x128x128xf32, #tpu.memory_space<hbm>> -> memref<128x128xf32, #tpu.memory_space<hbm>>
      %dma_wait3A_57 = arith.constant 0 : i32
      %dma_wait3A_58 = tpu.memref_slice %arg10[%add3A_50, %dma_wait3A_57] : memref<10240x128xf32, #tpu.memory_space<vmem_shared>> -> memref<128x128xf32, #tpu.memory_space<vmem_shared>>
      tpu.wait_dma2 semaphore(%run_scoped3A : memref<!tpu.dma_semaphore, #tpu.memory_space<semaphore_mem>>) src(%dma_wait3A_58 : memref<128x128xf32, #tpu.memory_space<vmem_shared>>) dst(%dma_wait3A_56 : memref<128x128xf32, #tpu.memory_space<hbm>>)
      tpu.yield
    }) : () -> ()
    return
  }
}

module attributes {stable_mosaic.version = 14 : i64} {
  func.func @_inpre_body(%arg0: i32, %arg1: memref<400x128xf32, #tpu.memory_space<vmem>>, %arg2: memref<128x128xf32, #tpu.memory_space<vmem>>, %arg3: memref<1x128xf32, #tpu.memory_space<vmem>>, %arg4: memref<128x128xf32, #tpu.memory_space<vmem>>, %arg5: memref<384x128xf32, #tpu.memory_space<vmem>>, %arg6: memref<1x384xf32, #tpu.memory_space<vmem>>, %arg7: memref<400x128xf32, #tpu.memory_space<vmem>>, %arg8: memref<400x128xf32, #tpu.memory_space<vmem>>, %arg9: memref<400x384xf32, #tpu.memory_space<vmem>>) attributes {dimension_semantics = [#tpu.dimension_semantics<arbitrary>], iteration_bounds = array<i64: 25>, scalar_prefetch = 0 : i64, scratch_operands = 0 : i64, tpu.core_type = #tpu.core_type<tc>, window_params = [{transform_indices = @transform_0, window_bounds = array<i64: 400, 128>}, {pipeline_mode = #tpu.pipeline_mode<synchronous>, transform_indices = @transform_1, window_bounds = array<i64: 128, 128>}, {pipeline_mode = #tpu.pipeline_mode<synchronous>, transform_indices = @transform_2, window_bounds = array<i64: 1, 128>}, {pipeline_mode = #tpu.pipeline_mode<synchronous>, transform_indices = @transform_3, window_bounds = array<i64: 128, 128>}, {pipeline_mode = #tpu.pipeline_mode<synchronous>, transform_indices = @transform_4, window_bounds = array<i64: 384, 128>}, {pipeline_mode = #tpu.pipeline_mode<synchronous>, transform_indices = @transform_5, window_bounds = array<i64: 1, 384>}, {transform_indices = @transform_6, window_bounds = array<i64: 400, 128>}, {transform_indices = @transform_7, window_bounds = array<i64: 400, 128>}, {transform_indices = @transform_8, window_bounds = array<i64: 400, 384>}]} {
    %get3A = arith.constant 0 : index
    %get3A_0 = arith.constant 0 : index
    %get3A_1 = vector.load %arg1[%get3A, %get3A_0] : memref<400x128xf32, #tpu.memory_space<vmem>>, vector<400x128xf32>
    %get3A_2 = arith.constant 0 : index
    %get3A_3 = arith.constant 0 : index
    %get3A_4 = vector.load %arg2[%get3A_2, %get3A_3] : memref<128x128xf32, #tpu.memory_space<vmem>>, vector<128x128xf32>
    %dot_general3A = arith.constant dense<0.000000e+00> : vector<400x128xf32>
    %dot_general3A_5 = tpu.matmul %get3A_1, %get3A_4, %dot_general3A {dimension_numbers = #tpu.dot_dimension_numbers<[1], [1], [0], [0], [0, 0, 1, 0], [], []>, transpose_lhs_hint = false} : vector<400x128xf32>, vector<128x128xf32>, vector<400x128xf32> -> vector<400x128xf32>
    %get3A_6 = arith.constant 0 : index
    %get3A_7 = arith.constant 0 : index
    %get3A_8 = vector.load %arg3[%get3A_6, %get3A_7] : memref<1x128xf32, #tpu.memory_space<vmem>>, vector<1x128xf32>
    %add3A = vector.broadcast %get3A_8 : vector<1x128xf32> to vector<400x128xf32>
    %add3A_9 = arith.addf %dot_general3A_5, %add3A : vector<400x128xf32>
    %max3A = arith.constant 0.000000e+00 : f32
    %max3A_10 = vector.broadcast %max3A : f32 to vector<400x128xf32>
    %max3A_11 = arith.maximumf %add3A_9, %max3A_10 : vector<400x128xf32>
    %swap3A = arith.constant 0 : index
    %swap3A_12 = arith.constant 0 : index
    %swap3A_13 = vector.load %arg7[%swap3A, %swap3A_12] : memref<400x128xf32, #tpu.memory_space<vmem>>, vector<400x128xf32>
    tpu.vector_store %arg7[%swap3A, %swap3A_12], %max3A_11 {strides = array<i32>} : memref<400x128xf32, #tpu.memory_space<vmem>>, vector<400x128xf32>,
    %get3A_14 = arith.constant 0 : index
    %get3A_15 = arith.constant 0 : index
    %get3A_16 = vector.load %arg4[%get3A_14, %get3A_15] : memref<128x128xf32, #tpu.memory_space<vmem>>, vector<128x128xf32>
    %dot_general3A_17 = arith.constant dense<0.000000e+00> : vector<400x128xf32>
    %dot_general3A_18 = tpu.matmul %max3A_11, %get3A_16, %dot_general3A_17 {dimension_numbers = #tpu.dot_dimension_numbers<[1], [0], [0], [1], [0, 0, 1, 1], [], []>, transpose_lhs_hint = false} : vector<400x128xf32>, vector<128x128xf32>, vector<400x128xf32> -> vector<400x128xf32>
    %swap3A_19 = arith.constant 0 : index
    %swap3A_20 = arith.constant 0 : index
    %swap3A_21 = vector.load %arg8[%swap3A_19, %swap3A_20] : memref<400x128xf32, #tpu.memory_space<vmem>>, vector<400x128xf32>
    tpu.vector_store %arg8[%swap3A_19, %swap3A_20], %dot_general3A_18 {strides = array<i32>} : memref<400x128xf32, #tpu.memory_space<vmem>>, vector<400x128xf32>,
    %get3A_22 = arith.constant 0 : index
    %get3A_23 = arith.constant 0 : index
    %get3A_24 = vector.load %arg5[%get3A_22, %get3A_23] : memref<384x128xf32, #tpu.memory_space<vmem>>, vector<384x128xf32>
    %dot_general3A_25 = arith.constant dense<0.000000e+00> : vector<400x384xf32>
    %dot_general3A_26 = tpu.matmul %max3A_11, %get3A_24, %dot_general3A_25 {dimension_numbers = #tpu.dot_dimension_numbers<[1], [1], [0], [0], [0, 0, 1, 0], [], []>, transpose_lhs_hint = false} : vector<400x128xf32>, vector<384x128xf32>, vector<400x384xf32> -> vector<400x384xf32>
    %get3A_27 = arith.constant 0 : index
    %get3A_28 = arith.constant 0 : index
    %get3A_29 = vector.load %arg6[%get3A_27, %get3A_28] : memref<1x384xf32, #tpu.memory_space<vmem>>, vector<1x384xf32>
    %add3A_30 = vector.broadcast %get3A_29 : vector<1x384xf32> to vector<400x384xf32>
    %add3A_31 = arith.addf %dot_general3A_26, %add3A_30 : vector<400x384xf32>
    %swap3A_32 = arith.constant 0 : index
    %swap3A_33 = arith.constant 0 : index
    %swap3A_34 = vector.load %arg9[%swap3A_32, %swap3A_33] : memref<400x384xf32, #tpu.memory_space<vmem>>, vector<400x384xf32>
    tpu.vector_store %arg9[%swap3A_32, %swap3A_33], %add3A_31 {strides = array<i32>} : memref<400x384xf32, #tpu.memory_space<vmem>>, vector<400x384xf32>,
    return
  }
  func.func @transform_0(%arg0: i32) -> (i32, i32) {
    %c0_i32 = arith.constant 0 : i32
    %c0_i32_0 = arith.constant 0 : i32
    return %arg0, %c0_i32 : i32, i32
  }
  func.func @transform_1(%arg0: i32) -> (i32, i32) {
    %c0_i32 = arith.constant 0 : i32
    %c0_i32_0 = arith.constant 0 : i32
    %c0_i32_1 = arith.constant 0 : i32
    return %c0_i32, %c0_i32_0 : i32, i32
  }
  func.func @transform_2(%arg0: i32) -> (i32, i32) {
    %c0_i32 = arith.constant 0 : i32
    %c0_i32_0 = arith.constant 0 : i32
    %c0_i32_1 = arith.constant 0 : i32
    return %c0_i32, %c0_i32_0 : i32, i32
  }
  func.func @transform_3(%arg0: i32) -> (i32, i32) {
    %c0_i32 = arith.constant 0 : i32
    %c0_i32_0 = arith.constant 0 : i32
    %c0_i32_1 = arith.constant 0 : i32
    return %c0_i32, %c0_i32_0 : i32, i32
  }
  func.func @transform_4(%arg0: i32) -> (i32, i32) {
    %c0_i32 = arith.constant 0 : i32
    %c0_i32_0 = arith.constant 0 : i32
    %c0_i32_1 = arith.constant 0 : i32
    return %c0_i32, %c0_i32_0 : i32, i32
  }
  func.func @transform_5(%arg0: i32) -> (i32, i32) {
    %c0_i32 = arith.constant 0 : i32
    %c0_i32_0 = arith.constant 0 : i32
    %c0_i32_1 = arith.constant 0 : i32
    return %c0_i32, %c0_i32_0 : i32, i32
  }
  func.func @transform_6(%arg0: i32) -> (i32, i32) {
    %c0_i32 = arith.constant 0 : i32
    %c0_i32_0 = arith.constant 0 : i32
    return %arg0, %c0_i32 : i32, i32
  }
  func.func @transform_7(%arg0: i32) -> (i32, i32) {
    %c0_i32 = arith.constant 0 : i32
    %c0_i32_0 = arith.constant 0 : i32
    return %arg0, %c0_i32 : i32, i32
  }
  func.func @transform_8(%arg0: i32) -> (i32, i32) {
    %c0_i32 = arith.constant 0 : i32
    %c0_i32_0 = arith.constant 0 : i32
    return %arg0, %c0_i32 : i32, i32
  }
}

module attributes {stable_mosaic.version = 14 : i64} {
  func.func @_postpre_body(%arg0: i32, %arg1: memref<400x128xf32, #tpu.memory_space<vmem>>, %arg2: memref<400x128xf32, #tpu.memory_space<vmem>>, %arg3: memref<400x128xf32, #tpu.memory_space<vmem>>, %arg4: memref<400x384xf32, #tpu.memory_space<vmem>>, %arg5: memref<384x128xf32, #tpu.memory_space<vmem>>, %arg6: memref<1x384xf32, #tpu.memory_space<vmem>>, %arg7: memref<128x128xf32, #tpu.memory_space<vmem>>, %arg8: memref<384x128xf32, #tpu.memory_space<vmem>>, %arg9: memref<1x384xf32, #tpu.memory_space<vmem>>, %arg10: memref<400x128xf32, #tpu.memory_space<vmem>>, %arg11: memref<400x128xf32, #tpu.memory_space<vmem>>, %arg12: memref<400x384xf32, #tpu.memory_space<vmem>>) attributes {dimension_semantics = [#tpu.dimension_semantics<arbitrary>], iteration_bounds = array<i64: 25>, scalar_prefetch = 0 : i64, scratch_operands = 0 : i64, tpu.core_type = #tpu.core_type<tc>, window_params = [{transform_indices = @transform_0, window_bounds = array<i64: 400, 128>}, {transform_indices = @transform_1, window_bounds = array<i64: 400, 128>}, {transform_indices = @transform_2, window_bounds = array<i64: 400, 128>}, {transform_indices = @transform_3, window_bounds = array<i64: 400, 384>}, {pipeline_mode = #tpu.pipeline_mode<synchronous>, transform_indices = @transform_4, window_bounds = array<i64: 384, 128>}, {pipeline_mode = #tpu.pipeline_mode<synchronous>, transform_indices = @transform_5, window_bounds = array<i64: 1, 384>}, {pipeline_mode = #tpu.pipeline_mode<synchronous>, transform_indices = @transform_6, window_bounds = array<i64: 128, 128>}, {pipeline_mode = #tpu.pipeline_mode<synchronous>, transform_indices = @transform_7, window_bounds = array<i64: 384, 128>}, {pipeline_mode = #tpu.pipeline_mode<synchronous>, transform_indices = @transform_8, window_bounds = array<i64: 1, 384>}, {transform_indices = @transform_9, window_bounds = array<i64: 400, 128>}, {transform_indices = @transform_10, window_bounds = array<i64: 400, 128>}, {transform_indices = @transform_11, window_bounds = array<i64: 400, 384>}]} {
    %get3A = arith.constant 0 : index
    %get3A_0 = arith.constant 0 : index
    %get3A_1 = vector.load %arg1[%get3A, %get3A_0] : memref<400x128xf32, #tpu.memory_space<vmem>>, vector<400x128xf32>
    %get3A_2 = arith.constant 0 : index
    %get3A_3 = arith.constant 0 : index
    %get3A_4 = vector.load %arg2[%get3A_2, %get3A_3] : memref<400x128xf32, #tpu.memory_space<vmem>>, vector<400x128xf32>
    %add3A = arith.addf %get3A_1, %get3A_4 : vector<400x128xf32>
    %get3A_5 = arith.constant 0 : index
    %get3A_6 = arith.constant 0 : index
    %get3A_7 = vector.load %arg5[%get3A_5, %get3A_6] : memref<384x128xf32, #tpu.memory_space<vmem>>, vector<384x128xf32>
    %dot_general3A = arith.constant dense<0.000000e+00> : vector<400x384xf32>
    %dot_general3A_8 = tpu.matmul %add3A, %get3A_7, %dot_general3A {dimension_numbers = #tpu.dot_dimension_numbers<[1], [1], [0], [0], [0, 0, 1, 0], [], []>, transpose_lhs_hint = false} : vector<400x128xf32>, vector<384x128xf32>, vector<400x384xf32> -> vector<400x384xf32>
    %get3A_9 = arith.constant 0 : index
    %get3A_10 = arith.constant 0 : index
    %get3A_11 = vector.load %arg6[%get3A_9, %get3A_10] : memref<1x384xf32, #tpu.memory_space<vmem>>, vector<1x384xf32>
    %add3A_12 = vector.broadcast %get3A_11 : vector<1x384xf32> to vector<400x384xf32>
    %add3A_13 = arith.addf %dot_general3A_8, %add3A_12 : vector<400x384xf32>
    %get3A_14 = arith.constant 0 : index
    %get3A_15 = arith.constant 0 : index
    %get3A_16 = vector.load %arg4[%get3A_14, %get3A_15] : memref<400x384xf32, #tpu.memory_space<vmem>>, vector<400x384xf32>
    %get3A_17 = arith.constant 0 : index
    %get3A_18 = arith.constant 0 : index
    %get3A_19 = vector.load %arg3[%get3A_17, %get3A_18] : memref<400x128xf32, #tpu.memory_space<vmem>>, vector<400x128xf32>
    %slice3A = vector.extract_strided_slice %add3A_13 {offsets = [0, 0], sizes = [400, 128], strides = [1, 1]} : vector<400x384xf32> to vector<400x128xf32>
    %slice3A_20 = vector.extract_strided_slice %get3A_16 {offsets = [0, 0], sizes = [400, 128], strides = [1, 1]} : vector<400x384xf32> to vector<400x128xf32>
    %add3A_21 = arith.addf %slice3A, %slice3A_20 : vector<400x128xf32>
    %logistic3A = arith.negf %add3A_21 : vector<400x128xf32>
    %logistic3A_22 = math.exp %logistic3A : vector<400x128xf32>
    %logistic3A_23 = arith.constant 1.000000e+00 : f32
    %logistic3A_24 = vector.broadcast %logistic3A_23 : f32 to vector<400x128xf32>
    %logistic3A_25 = arith.addf %logistic3A_24, %logistic3A_22 : vector<400x128xf32>
    %logistic3A_26 = arith.divf %logistic3A_24, %logistic3A_25 : vector<400x128xf32>
    %slice3A_27 = vector.extract_strided_slice %add3A_13 {offsets = [0, 128], sizes = [400, 128], strides = [1, 1]} : vector<400x384xf32> to vector<400x128xf32>
    %slice3A_28 = vector.extract_strided_slice %get3A_16 {offsets = [0, 128], sizes = [400, 128], strides = [1, 1]} : vector<400x384xf32> to vector<400x128xf32>
    %add3A_29 = arith.addf %slice3A_27, %slice3A_28 : vector<400x128xf32>
    %logistic3A_30 = arith.negf %add3A_29 : vector<400x128xf32>
    %logistic3A_31 = math.exp %logistic3A_30 : vector<400x128xf32>
    %logistic3A_32 = arith.constant 1.000000e+00 : f32
    %logistic3A_33 = vector.broadcast %logistic3A_32 : f32 to vector<400x128xf32>
    %logistic3A_34 = arith.addf %logistic3A_33, %logistic3A_31 : vector<400x128xf32>
    %logistic3A_35 = arith.divf %logistic3A_33, %logistic3A_34 : vector<400x128xf32>
    %slice3A_36 = vector.extract_strided_slice %add3A_13 {offsets = [0, 256], sizes = [400, 128], strides = [1, 1]} : vector<400x384xf32> to vector<400x128xf32>
    %slice3A_37 = vector.extract_strided_slice %get3A_16 {offsets = [0, 256], sizes = [400, 128], strides = [1, 1]} : vector<400x384xf32> to vector<400x128xf32>
    %mul3A = arith.mulf %logistic3A_26, %slice3A_37 : vector<400x128xf32>
    %add3A_38 = arith.addf %slice3A_36, %mul3A : vector<400x128xf32>
    %tanh3A = math.tanh %add3A_38 : vector<400x128xf32>
    %sub3A = arith.constant 1.000000e+00 : f32
    %sub3A_39 = vector.broadcast %sub3A : f32 to vector<400x128xf32>
    %sub3A_40 = arith.subf %sub3A_39, %logistic3A_35 : vector<400x128xf32>
    %mul3A_41 = arith.mulf %sub3A_40, %tanh3A : vector<400x128xf32>
    %mul3A_42 = arith.mulf %logistic3A_35, %get3A_19 : vector<400x128xf32>
    %add3A_43 = arith.addf %mul3A_41, %mul3A_42 : vector<400x128xf32>
    %swap3A = arith.constant 0 : index
    %swap3A_44 = arith.constant 0 : index
    %swap3A_45 = vector.load %arg10[%swap3A, %swap3A_44] : memref<400x128xf32, #tpu.memory_space<vmem>>, vector<400x128xf32>
    tpu.vector_store %arg10[%swap3A, %swap3A_44], %add3A_43 {strides = array<i32>} : memref<400x128xf32, #tpu.memory_space<vmem>>, vector<400x128xf32>,
    %get3A_46 = arith.constant 0 : index
    %get3A_47 = arith.constant 0 : index
    %get3A_48 = vector.load %arg7[%get3A_46, %get3A_47] : memref<128x128xf32, #tpu.memory_space<vmem>>, vector<128x128xf32>
    %dot_general3A_49 = arith.constant dense<0.000000e+00> : vector<400x128xf32>
    %dot_general3A_50 = tpu.matmul %add3A_43, %get3A_48, %dot_general3A_49 {dimension_numbers = #tpu.dot_dimension_numbers<[1], [0], [0], [1], [0, 0, 1, 1], [], []>, transpose_lhs_hint = false} : vector<400x128xf32>, vector<128x128xf32>, vector<400x128xf32> -> vector<400x128xf32>
    %swap3A_51 = arith.constant 0 : index
    %swap3A_52 = arith.constant 0 : index
    %swap3A_53 = vector.load %arg11[%swap3A_51, %swap3A_52] : memref<400x128xf32, #tpu.memory_space<vmem>>, vector<400x128xf32>
    tpu.vector_store %arg11[%swap3A_51, %swap3A_52], %dot_general3A_50 {strides = array<i32>} : memref<400x128xf32, #tpu.memory_space<vmem>>, vector<400x128xf32>,
    %get3A_54 = arith.constant 0 : index
    %get3A_55 = arith.constant 0 : index
    %get3A_56 = vector.load %arg8[%get3A_54, %get3A_55] : memref<384x128xf32, #tpu.memory_space<vmem>>, vector<384x128xf32>
    %dot_general3A_57 = arith.constant dense<0.000000e+00> : vector<400x384xf32>
    %dot_general3A_58 = tpu.matmul %add3A_43, %get3A_56, %dot_general3A_57 {dimension_numbers = #tpu.dot_dimension_numbers<[1], [1], [0], [0], [0, 0, 1, 0], [], []>, transpose_lhs_hint = false} : vector<400x128xf32>, vector<384x128xf32>, vector<400x384xf32> -> vector<400x384xf32>
    %get3A_59 = arith.constant 0 : index
    %get3A_60 = arith.constant 0 : index
    %get3A_61 = vector.load %arg9[%get3A_59, %get3A_60] : memref<1x384xf32, #tpu.memory_space<vmem>>, vector<1x384xf32>
    %add3A_62 = vector.broadcast %get3A_61 : vector<1x384xf32> to vector<400x384xf32>
    %add3A_63 = arith.addf %dot_general3A_58, %add3A_62 : vector<400x384xf32>
    %swap3A_64 = arith.constant 0 : index
    %swap3A_65 = arith.constant 0 : index
    %swap3A_66 = vector.load %arg12[%swap3A_64, %swap3A_65] : memref<400x384xf32, #tpu.memory_space<vmem>>, vector<400x384xf32>
    tpu.vector_store %arg12[%swap3A_64, %swap3A_65], %add3A_63 {strides = array<i32>} : memref<400x384xf32, #tpu.memory_space<vmem>>, vector<400x384xf32>,
    return
  }
  func.func @transform_0(%arg0: i32) -> (i32, i32) {
    %c0_i32 = arith.constant 0 : i32
    %c0_i32_0 = arith.constant 0 : i32
    return %arg0, %c0_i32 : i32, i32
  }
  func.func @transform_1(%arg0: i32) -> (i32, i32) {
    %c0_i32 = arith.constant 0 : i32
    %c0_i32_0 = arith.constant 0 : i32
    return %arg0, %c0_i32 : i32, i32
  }
  func.func @transform_2(%arg0: i32) -> (i32, i32) {
    %c0_i32 = arith.constant 0 : i32
    %c0_i32_0 = arith.constant 0 : i32
    return %arg0, %c0_i32 : i32, i32
  }
  func.func @transform_3(%arg0: i32) -> (i32, i32) {
    %c0_i32 = arith.constant 0 : i32
    %c0_i32_0 = arith.constant 0 : i32
    return %arg0, %c0_i32 : i32, i32
  }
  func.func @transform_4(%arg0: i32) -> (i32, i32) {
    %c0_i32 = arith.constant 0 : i32
    %c0_i32_0 = arith.constant 0 : i32
    %c0_i32_1 = arith.constant 0 : i32
    return %c0_i32, %c0_i32_0 : i32, i32
  }
  func.func @transform_5(%arg0: i32) -> (i32, i32) {
    %c0_i32 = arith.constant 0 : i32
    %c0_i32_0 = arith.constant 0 : i32
    %c0_i32_1 = arith.constant 0 : i32
    return %c0_i32, %c0_i32_0 : i32, i32
  }
  func.func @transform_6(%arg0: i32) -> (i32, i32) {
    %c0_i32 = arith.constant 0 : i32
    %c0_i32_0 = arith.constant 0 : i32
    %c0_i32_1 = arith.constant 0 : i32
    return %c0_i32, %c0_i32_0 : i32, i32
  }
  func.func @transform_7(%arg0: i32) -> (i32, i32) {
    %c0_i32 = arith.constant 0 : i32
    %c0_i32_0 = arith.constant 0 : i32
    %c0_i32_1 = arith.constant 0 : i32
    return %c0_i32, %c0_i32_0 : i32, i32
  }
  func.func @transform_8(%arg0: i32) -> (i32, i32) {
    %c0_i32 = arith.constant 0 : i32
    %c0_i32_0 = arith.constant 0 : i32
    %c0_i32_1 = arith.constant 0 : i32
    return %c0_i32, %c0_i32_0 : i32, i32
  }
  func.func @transform_9(%arg0: i32) -> (i32, i32) {
    %c0_i32 = arith.constant 0 : i32
    %c0_i32_0 = arith.constant 0 : i32
    return %arg0, %c0_i32 : i32, i32
  }
  func.func @transform_10(%arg0: i32) -> (i32, i32) {
    %c0_i32 = arith.constant 0 : i32
    %c0_i32_0 = arith.constant 0 : i32
    return %arg0, %c0_i32 : i32, i32
  }
  func.func @transform_11(%arg0: i32) -> (i32, i32) {
    %c0_i32 = arith.constant 0 : i32
    %c0_i32_0 = arith.constant 0 : i32
    return %arg0, %c0_i32 : i32, i32
  }
}

module attributes {stable_mosaic.version = 14 : i64} {
  func.func @_postout_body(%arg0: i32, %arg1: memref<400x128xf32, #tpu.memory_space<vmem>>, %arg2: memref<400x128xf32, #tpu.memory_space<vmem>>, %arg3: memref<400x128xf32, #tpu.memory_space<vmem>>, %arg4: memref<400x384xf32, #tpu.memory_space<vmem>>, %arg5: memref<384x128xf32, #tpu.memory_space<vmem>>, %arg6: memref<1x384xf32, #tpu.memory_space<vmem>>, %arg7: memref<128x128xf32, #tpu.memory_space<vmem>>, %arg8: memref<1x128xf32, #tpu.memory_space<vmem>>, %arg9: memref<400x128xf32, #tpu.memory_space<vmem>>) attributes {dimension_semantics = [#tpu.dimension_semantics<arbitrary>], iteration_bounds = array<i64: 25>, scalar_prefetch = 0 : i64, scratch_operands = 0 : i64, tpu.core_type = #tpu.core_type<tc>, window_params = [{transform_indices = @transform_0, window_bounds = array<i64: 400, 128>}, {transform_indices = @transform_1, window_bounds = array<i64: 400, 128>}, {transform_indices = @transform_2, window_bounds = array<i64: 400, 128>}, {transform_indices = @transform_3, window_bounds = array<i64: 400, 384>}, {pipeline_mode = #tpu.pipeline_mode<synchronous>, transform_indices = @transform_4, window_bounds = array<i64: 384, 128>}, {pipeline_mode = #tpu.pipeline_mode<synchronous>, transform_indices = @transform_5, window_bounds = array<i64: 1, 384>}, {pipeline_mode = #tpu.pipeline_mode<synchronous>, transform_indices = @transform_6, window_bounds = array<i64: 128, 128>}, {pipeline_mode = #tpu.pipeline_mode<synchronous>, transform_indices = @transform_7, window_bounds = array<i64: 1, 128>}, {transform_indices = @transform_8, window_bounds = array<i64: 400, 128>}]} {
    %get3A = arith.constant 0 : index
    %get3A_0 = arith.constant 0 : index
    %get3A_1 = vector.load %arg1[%get3A, %get3A_0] : memref<400x128xf32, #tpu.memory_space<vmem>>, vector<400x128xf32>
    %get3A_2 = arith.constant 0 : index
    %get3A_3 = arith.constant 0 : index
    %get3A_4 = vector.load %arg2[%get3A_2, %get3A_3] : memref<400x128xf32, #tpu.memory_space<vmem>>, vector<400x128xf32>
    %add3A = arith.addf %get3A_1, %get3A_4 : vector<400x128xf32>
    %get3A_5 = arith.constant 0 : index
    %get3A_6 = arith.constant 0 : index
    %get3A_7 = vector.load %arg5[%get3A_5, %get3A_6] : memref<384x128xf32, #tpu.memory_space<vmem>>, vector<384x128xf32>
    %dot_general3A = arith.constant dense<0.000000e+00> : vector<400x384xf32>
    %dot_general3A_8 = tpu.matmul %add3A, %get3A_7, %dot_general3A {dimension_numbers = #tpu.dot_dimension_numbers<[1], [1], [0], [0], [0, 0, 1, 0], [], []>, transpose_lhs_hint = false} : vector<400x128xf32>, vector<384x128xf32>, vector<400x384xf32> -> vector<400x384xf32>
    %get3A_9 = arith.constant 0 : index
    %get3A_10 = arith.constant 0 : index
    %get3A_11 = vector.load %arg6[%get3A_9, %get3A_10] : memref<1x384xf32, #tpu.memory_space<vmem>>, vector<1x384xf32>
    %add3A_12 = vector.broadcast %get3A_11 : vector<1x384xf32> to vector<400x384xf32>
    %add3A_13 = arith.addf %dot_general3A_8, %add3A_12 : vector<400x384xf32>
    %get3A_14 = arith.constant 0 : index
    %get3A_15 = arith.constant 0 : index
    %get3A_16 = vector.load %arg4[%get3A_14, %get3A_15] : memref<400x384xf32, #tpu.memory_space<vmem>>, vector<400x384xf32>
    %get3A_17 = arith.constant 0 : index
    %get3A_18 = arith.constant 0 : index
    %get3A_19 = vector.load %arg3[%get3A_17, %get3A_18] : memref<400x128xf32, #tpu.memory_space<vmem>>, vector<400x128xf32>
    %slice3A = vector.extract_strided_slice %add3A_13 {offsets = [0, 0], sizes = [400, 128], strides = [1, 1]} : vector<400x384xf32> to vector<400x128xf32>
    %slice3A_20 = vector.extract_strided_slice %get3A_16 {offsets = [0, 0], sizes = [400, 128], strides = [1, 1]} : vector<400x384xf32> to vector<400x128xf32>
    %add3A_21 = arith.addf %slice3A, %slice3A_20 : vector<400x128xf32>
    %logistic3A = arith.negf %add3A_21 : vector<400x128xf32>
    %logistic3A_22 = math.exp %logistic3A : vector<400x128xf32>
    %logistic3A_23 = arith.constant 1.000000e+00 : f32
    %logistic3A_24 = vector.broadcast %logistic3A_23 : f32 to vector<400x128xf32>
    %logistic3A_25 = arith.addf %logistic3A_24, %logistic3A_22 : vector<400x128xf32>
    %logistic3A_26 = arith.divf %logistic3A_24, %logistic3A_25 : vector<400x128xf32>
    %slice3A_27 = vector.extract_strided_slice %add3A_13 {offsets = [0, 128], sizes = [400, 128], strides = [1, 1]} : vector<400x384xf32> to vector<400x128xf32>
    %slice3A_28 = vector.extract_strided_slice %get3A_16 {offsets = [0, 128], sizes = [400, 128], strides = [1, 1]} : vector<400x384xf32> to vector<400x128xf32>
    %add3A_29 = arith.addf %slice3A_27, %slice3A_28 : vector<400x128xf32>
    %logistic3A_30 = arith.negf %add3A_29 : vector<400x128xf32>
    %logistic3A_31 = math.exp %logistic3A_30 : vector<400x128xf32>
    %logistic3A_32 = arith.constant 1.000000e+00 : f32
    %logistic3A_33 = vector.broadcast %logistic3A_32 : f32 to vector<400x128xf32>
    %logistic3A_34 = arith.addf %logistic3A_33, %logistic3A_31 : vector<400x128xf32>
    %logistic3A_35 = arith.divf %logistic3A_33, %logistic3A_34 : vector<400x128xf32>
    %slice3A_36 = vector.extract_strided_slice %add3A_13 {offsets = [0, 256], sizes = [400, 128], strides = [1, 1]} : vector<400x384xf32> to vector<400x128xf32>
    %slice3A_37 = vector.extract_strided_slice %get3A_16 {offsets = [0, 256], sizes = [400, 128], strides = [1, 1]} : vector<400x384xf32> to vector<400x128xf32>
    %mul3A = arith.mulf %logistic3A_26, %slice3A_37 : vector<400x128xf32>
    %add3A_38 = arith.addf %slice3A_36, %mul3A : vector<400x128xf32>
    %tanh3A = math.tanh %add3A_38 : vector<400x128xf32>
    %sub3A = arith.constant 1.000000e+00 : f32
    %sub3A_39 = vector.broadcast %sub3A : f32 to vector<400x128xf32>
    %sub3A_40 = arith.subf %sub3A_39, %logistic3A_35 : vector<400x128xf32>
    %mul3A_41 = arith.mulf %sub3A_40, %tanh3A : vector<400x128xf32>
    %mul3A_42 = arith.mulf %logistic3A_35, %get3A_19 : vector<400x128xf32>
    %add3A_43 = arith.addf %mul3A_41, %mul3A_42 : vector<400x128xf32>
    %max3A = arith.constant 0.000000e+00 : f32
    %max3A_44 = vector.broadcast %max3A : f32 to vector<400x128xf32>
    %max3A_45 = arith.maximumf %add3A_43, %max3A_44 : vector<400x128xf32>
    %get3A_46 = arith.constant 0 : index
    %get3A_47 = arith.constant 0 : index
    %get3A_48 = vector.load %arg7[%get3A_46, %get3A_47] : memref<128x128xf32, #tpu.memory_space<vmem>>, vector<128x128xf32>
    %dot_general3A_49 = arith.constant dense<0.000000e+00> : vector<400x128xf32>
    %dot_general3A_50 = tpu.matmul %max3A_45, %get3A_48, %dot_general3A_49 {dimension_numbers = #tpu.dot_dimension_numbers<[1], [1], [0], [0], [0, 0, 1, 0], [], []>, transpose_lhs_hint = false} : vector<400x128xf32>, vector<128x128xf32>, vector<400x128xf32> -> vector<400x128xf32>
    %get3A_51 = arith.constant 0 : index
    %get3A_52 = arith.constant 0 : index
    %get3A_53 = vector.load %arg8[%get3A_51, %get3A_52] : memref<1x128xf32, #tpu.memory_space<vmem>>, vector<1x128xf32>
    %add3A_54 = vector.broadcast %get3A_53 : vector<1x128xf32> to vector<400x128xf32>
    %add3A_55 = arith.addf %dot_general3A_50, %add3A_54 : vector<400x128xf32>
    %max3A_56 = arith.constant 0.000000e+00 : f32
    %max3A_57 = vector.broadcast %max3A_56 : f32 to vector<400x128xf32>
    %max3A_58 = arith.maximumf %add3A_55, %max3A_57 : vector<400x128xf32>
    %swap3A = arith.constant 0 : index
    %swap3A_59 = arith.constant 0 : index
    %swap3A_60 = vector.load %arg9[%swap3A, %swap3A_59] : memref<400x128xf32, #tpu.memory_space<vmem>>, vector<400x128xf32>
    tpu.vector_store %arg9[%swap3A, %swap3A_59], %max3A_58 {strides = array<i32>} : memref<400x128xf32, #tpu.memory_space<vmem>>, vector<400x128xf32>,
    return
  }
  func.func @transform_0(%arg0: i32) -> (i32, i32) {
    %c0_i32 = arith.constant 0 : i32
    %c0_i32_0 = arith.constant 0 : i32
    return %arg0, %c0_i32 : i32, i32
  }
  func.func @transform_1(%arg0: i32) -> (i32, i32) {
    %c0_i32 = arith.constant 0 : i32
    %c0_i32_0 = arith.constant 0 : i32
    return %arg0, %c0_i32 : i32, i32
  }
  func.func @transform_2(%arg0: i32) -> (i32, i32) {
    %c0_i32 = arith.constant 0 : i32
    %c0_i32_0 = arith.constant 0 : i32
    return %arg0, %c0_i32 : i32, i32
  }
  func.func @transform_3(%arg0: i32) -> (i32, i32) {
    %c0_i32 = arith.constant 0 : i32
    %c0_i32_0 = arith.constant 0 : i32
    return %arg0, %c0_i32 : i32, i32
  }
  func.func @transform_4(%arg0: i32) -> (i32, i32) {
    %c0_i32 = arith.constant 0 : i32
    %c0_i32_0 = arith.constant 0 : i32
    %c0_i32_1 = arith.constant 0 : i32
    return %c0_i32, %c0_i32_0 : i32, i32
  }
  func.func @transform_5(%arg0: i32) -> (i32, i32) {
    %c0_i32 = arith.constant 0 : i32
    %c0_i32_0 = arith.constant 0 : i32
    %c0_i32_1 = arith.constant 0 : i32
    return %c0_i32, %c0_i32_0 : i32, i32
  }
  func.func @transform_6(%arg0: i32) -> (i32, i32) {
    %c0_i32 = arith.constant 0 : i32
    %c0_i32_0 = arith.constant 0 : i32
    %c0_i32_1 = arith.constant 0 : i32
    return %c0_i32, %c0_i32_0 : i32, i32
  }
  func.func @transform_7(%arg0: i32) -> (i32, i32) {
    %c0_i32 = arith.constant 0 : i32
    %c0_i32_0 = arith.constant 0 : i32
    %c0_i32_1 = arith.constant 0 : i32
    return %c0_i32, %c0_i32_0 : i32, i32
  }
  func.func @transform_8(%arg0: i32) -> (i32, i32) {
    %c0_i32 = arith.constant 0 : i32
    %c0_i32_0 = arith.constant 0 : i32
    return %arg0, %c0_i32 : i32, i32
  }
}

</mosaic_0001>

<sc_bundles>
// kernel: kernel.12.cloned.1.call-start
scs
__scs_entry_jumppad:
0x0: {  	(pc) =	sbr.rel $0x88, $3  }
0x1: {  	(tag) =	ssettag $0x0;
	lr =	simm.s32 $0x1  }
0x2: {  	[smem:$0x3F96] =	sst lr;
	_ =	strace $0xD0000000  }
0x3: {  	_ = 	snop  }
0x4: {  	_ = 	snop  }
0x5: {  	_ = 	snop  }
0x6: {  	_ = 	snop  }
0x7: {  	_ = 	snop  }
__scs_overlays_trampoline_lowered:
0x8: {  	[smem:$0x3FA5] =	sst s0  }
0x9: {  	[smem:$0x3FA6] =	sst s1  }
0xa: {  	[smem:$0x3FA7] =	sst s2  }
0xb: {  	[smem:$0x3FA8] =	sst s3  }
0xc: {  	[smem:$0x3FA9] =	sst s4  }
0xd: {  	[smem:$0x3FAA] =	sst s5  }
0xe: {  	[smem:$0x3FAB] =	sst s6  }
0xf: {  	[smem:$0x3FAC] =	sst s7  }
0x10: {  	[smem:$0x3FAD] =	sst s8  }
0x11: {  	[smem:$0x3FAE] =	sst s9;
	s0 =	simm.s32 @!p0 $0x0  }
0x12: {  	s1 =	sld [smem:$0x3F94];
	s0 =	simm.s32 @p0 $0x1  }
0x13: {  	[smem:$0x3FAF] =	sst s0;
	s0 =	simm.s32 @!p1 $0x0  }
0x14: {  	s2 =	sld [smem:$0x3F93];
	s0 =	simm.s32 @p1 $0x1  }
0x15: {  	[smem:$0x3FB0] =	sst s0;
	s0 =	simm.s32 @!p2 $0x0  }
0x16: {  	s3 =	sld [smem:$0x3FDB];
	s0 =	simm.s32 @p2 $0x1  }
0x17: {  	s4 =	simm.s32 $0x1BF5;
	[smem:$0x3FB2] =	sst s0  }
0x18: {  	s0 =	sld [smem:$0x3F95];
	_ =	swait.ge [sflag:s4], $0x0  }
0x19: {  	s7 =	sld [smem:$0x3F96]  }
0x1a: {  	s8 =	sadd.s32 $0xFFFFE003, lr  }
0x1b: {  	s9 =	sadd.s32 $0xFFFFFEF7, lr;
	s5 =	simm.s32 $0xFFFFFFFF;
	p2 =	slt.u32 s8, $0xFFFFF086  }
0x1c: {  	p1 =	slt.u32 s9, $0xF7A;
	s5 =	simm.s32 @!p2 $0x0  }
0x1d: {  	s5 =	simm.s32 @p1 $0x1;
	p0 =	seq.s32 s7, s2  }
0x1e: {  	s7 =	smul.u32 @!p0 $0xF7A, s2;
	p2 =	seq.s32 @!p0 s5, $0x0  }
0x1f: {  	s9 =	smul.u32 $0xF7A, s1;
	s8 =	simm.s32 @!p0 $0x1BF5;
	p2 =	por !p2, p0  }
0x20: {  	[sflag:s8] =	ssyncset.s32 @!p0 $0xFFFFF086;
	s6 =	sadd.s32 @!p0 s3, s7;
	s7 =	simm.s32 @!p0 $0x108  }
0x21: {  	s3 =	sadd.s32 s3, s9;
	s6 =	sadd.s32 @!p0 $0x88, s6;
	s7 =	simm.s32 @p2 $0x1082  }
0x22: {  	[simem:s7], [sflag:s8] =	dma.local @!p0 [hbm:s6], $0xF7A  }
0x23: {  	s9 =	sor.u32 $0xD0000000, s2;
	s6 =	simm.s32 $0x108;
	_ =	swait.ge @!p0 [sflag:s8], $0x0  }
0x24: {  	s3 =	sadd.s32 $0x88, s3;
	s6 =	simm.s32 @!p1 $0x1082;
	[sflag:s4] =	ssyncset.s32 $0xFFFFF086  }
0x25: {  	[simem:s6], [sflag:s4] =	dma.local [hbm:s3], $0xF7A  }
0x26: {  	[smem:$0x3F96] =	sst s1;
	(tag) =	ssettag s2;
	_ =	strace s9  }
0x27: {  	s1 =	sld [smem:$0x3FA6]  }
0x28: {  	s2 =	sld [smem:$0x3FA7]  }
0x29: {  	s4 =	sld [smem:$0x3FA9]  }
0x2a: {  	p0 =	seq.s32 s5, $0x0;
	s5 =	sld [smem:$0x3FAA]  }
0x2b: {  	s6 =	sld [smem:$0x3FAB]  }
0x2c: {  	s7 =	sld [smem:$0x3FAC]  }
0x2d: {  	s3 =	simm.s32 $0x108;
	s8 =	sld [smem:$0x3FAD]  }
0x2e: {  	s3 =	simm.s32 @!p0 $0x1082;
	s9 =	sld [smem:$0x3FAE]  }
0x2f: {  	lr =	sadd.s32 s0, s3;
	s0 =	sld [smem:$0x3FA5]  }
0x30: {  	s3 =	sld [smem:$0x3FA8]  }
0x31: {  	[smem:$0x3FB1] =	sst s10  }
0x32: {  	s10 =	sld [smem:$0x3FAF];
	_ =	sdelay $0x3  }
0x33: {  	p0 =	seq.s32 s10, $0x1;
	s10 =	sld [smem:$0x3FB1];
	_ =	sdelay $0x3  }
0x34: {  	[smem:$0x3FB1] =	sst s10  }
0x35: {  	s10 =	sld [smem:$0x3FB0];
	_ =	sdelay $0x3  }
0x36: {  	p1 =	seq.s32 s10, $0x1;
	s10 =	sld [smem:$0x3FB1];
	_ =	sdelay $0x3  }
0x37: {  	[smem:$0x3FB1] =	sst s10  }
0x38: {  	s10 =	sld [smem:$0x3FB2]  }
0x39: {  	_ = 	snop;
	(pc) =	sbr.ind lr, $3  }
0x3a: {  	_ = 	snop  }
0x3b: {  	_ = 	snop  }
0x3c: {  	p2 =	seq.s32 s10, $0x1;
	s10 =	sld [smem:$0x3FB1]  }
0x3d: {  	_ =	shalt  }
0x3e: {  	_ =	shalt  }
0x3f: {  	_ =	shalt  }
0x40: {  	_ =	shalt  }
0x41: {  	_ =	shalt  }
0x42: {  	_ =	shalt  }
0x43: {  	_ =	shalt  }
0x44: {  	_ =	shalt  }
0x45: {  	_ =	shalt  }
0x46: {  	_ =	shalt  }
0x47: {  	_ =	shalt  }
0x48: {  	_ =	shalt  }
0x49: {  	_ =	shalt  }
0x4a: {  	_ =	shalt  }
0x4b: {  	_ =	shalt  }
0x4c: {  	_ =	shalt  }
0x4d: {  	_ =	shalt  }
0x4e: {  	_ =	shalt  }
0x4f: {  	_ =	shalt  }
0x50: {  	_ =	shalt  }
0x51: {  	_ =	shalt  }
0x52: {  	_ =	shalt  }
0x53: {  	_ =	shalt  }
0x54: {  	_ =	shalt  }
0x55: {  	_ =	shalt  }
0x56: {  	_ =	shalt  }
0x57: {  	_ =	shalt  }
0x58: {  	_ =	shalt  }
0x59: {  	_ =	shalt  }
0x5a: {  	_ =	shalt  }
0x5b: {  	_ =	shalt  }
0x5c: {  	_ =	shalt  }
0x5d: {  	_ =	shalt  }
0x5e: {  	_ =	shalt  }
0x5f: {  	_ =	shalt  }
0x60: {  	_ =	shalt  }
0x61: {  	_ =	shalt  }
0x62: {  	_ =	shalt  }
0x63: {  	_ =	shalt  }
0x64: {  	_ =	shalt  }
0x65: {  	_ =	shalt  }
0x66: {  	_ =	shalt  }
0x67: {  	_ =	shalt  }
0x68: {  	_ =	shalt  }
0x69: {  	_ =	shalt  }
0x6a: {  	_ =	shalt  }
0x6b: {  	_ =	shalt  }
0x6c: {  	_ =	shalt  }
0x6d: {  	_ =	shalt  }
0x6e: {  	_ =	shalt  }
0x6f: {  	_ =	shalt  }
0x70: {  	_ =	shalt  }
0x71: {  	_ =	shalt  }
0x72: {  	_ =	shalt  }
0x73: {  	_ =	shalt  }
0x74: {  	_ =	shalt  }
0x75: {  	_ =	shalt  }
0x76: {  	_ =	shalt  }
0x77: {  	_ =	shalt  }
0x78: {  	_ =	shalt  }
0x79: {  	_ =	shalt  }
0x7a: {  	_ =	shalt  }
0x7b: {  	_ =	shalt  }
0x7c: {  	_ =	shalt  }
0x7d: {  	_ =	shalt  }
0x7e: {  	_ =	shalt  }
0x7f: {  	_ =	shalt  }
0x80: {  	_ =	shalt  }
0x81: {  	_ =	shalt  }
0x82: {  	_ =	shalt  }
0x83: {  	_ =	shalt  }
0x84: {  	_ =	shalt  }
0x85: {  	_ =	shalt  }
0x86: {  	_ =	shalt  }
0x87: {  	_ =	shalt  }
.Lfunc_end0:
.L_simem_size_0:
called_computation.1_lowered:
.L_overlay_start_0:
0x88: {  	s2 =	sld [smem:$0x3FD9]  }
0x89: {  	s3 =	sld [smem:$0x3FFE];
	_ =	sdelay $0x1  }
0x8a: {  	s1 =	srdreg.scid  }
0x8b: {  	s0 =	sand.u32 $0x1, s1  }
0x8c: {  	s17 =	sshll.u32 s0, $0xA;
	s2 =	sadd.s32 s3, s2  }
0x8d: {  	s2 =	sadd.s32 s2, s17  }
0x8e: {  	[smem:$0x3FBD] =	sst s2  }
0x8f: {  	_ = 	snop  }
0x90: {  	s2 =	sld [smem:$0x3FD0];
	(tm) =	ssettm $0x1  }
0x91: {  	s18 =	sld [smem:$0x3FFB];
	_ =	sdelay $0x3  }
0x92: {  	_ =	strace s18  }
0x93: {  	s3 =	sld [smem:$0x3FFC];
	_ =	sdelay $0x3  }
0x94: {  	_ =	strace s3  }
0x95: {  	s3 =	sld [smem:$0x3FFD];
	_ =	sdelay $0x3  }
0x96: {  	_ =	strace s3  }
0x97: {  	_ =	strace $0x8FFFFFFF  }
0x98: {  	s19 =	sld [smem:$0x3FDB];
	_ =	sdelay $0x1  }
0x99: {  	s4 =	simm.s32 $_scs_section_size  }
0x9a: {  	s5 =	simm.s32 $_size__tile_overlayer_lowered;
	s6 =	simm.s32 $_tile_overlayer_lowered  }
0x9b: {  	s22 =	simm.s32 $0x1BFF;
	s21 =	sshll.u32 s6, $0x1;
	s3 =	sadd.s32 s4, s19  }
0x9c: {  	s7 =	simm.s32 $0x0;
	s20 =	sshll.u32 s5, $0x1;
	s5 =	sadd.s32 s21, s3  }
0x9d: {  	[timem:s7], [sflag:s22] =	dma.local [hbm:s5], s20  }
0x9e: {  	_ =	swait.ge [sflag:s22], s20  }
0x9f: {  	s4 =	ssub.s32 $0x0, s20;
	[sflag:s22] =	ssyncset.done $0x0  }
0xa0: {  	[sflag:s22] =	ssyncadd.s32 s4;
	_ =	sdelay $0x1  }
0xa1: {  	s23 =	simm.s32 $0x1B8B  }
0xa2: {  	_ =	swait.ge [sflag:s23], $0x1  }
0xa3: {  	[sflag:s23] =	ssyncset.done $0x0  }
0xa4: {  	s25 =	simm.s32 $0x1B8E;
	s24 =	sld [smem:$0x3FFE];
	[sflag:s23] =	ssyncadd.s32 $0xFFFFFFFF  }
0xa5: {  	s26 =	simm.s32 $execute0_lowered;
	[smem:$0x3FD2] =	sst s25  }
0xa6: {  	s5 =	sshll.u32 s26, $0x1;
	_ =	strace $0x80000049;
	[dreg:$0x1] =	wrdreg $0xFFFFFFFF  }
0xa7: {  	s28 =	simm.s32 $_size_execute0_lowered;
	s3 =	sadd.s32 s3, s5;
	[dreg:$0x0] =	wrdreg $0x0  }
0xa8: {  	s5 =	sshll.u32 s28, $0x1;
	[dreg:$0x2] =	wrdreg s3  }
0xa9: {  	[dreg:$0x3] =	wrdreg s5  }
0xaa: {  	[dreg:$0x4] =	wrdreg $0xC0  }
0xab: {  	_ =	task [dreg:s7], $0x5FFFF  }
0xac: {  	[dreg:$0x1] =	wrdreg $0xFFFFFFFF  }
0xad: {  	[dreg:$0x0] =	wrdreg $0x60  }
0xae: {  	[dreg:$0x2] =	wrdreg s2  }
0xaf: {  	[dreg:$0x3] =	wrdreg s24  }
0xb0: {  	[dreg:$0x4] =	wrdreg $0x90000  }
0xb1: {  	[dreg:$0x5] =	wrdreg $0x9  }
0xb2: {  	_ =	task.clear_ibuf [dreg:s7], $0x6FFFF;
	_ =	strace $0x90000049  }
0xb3: {  	s29 =	simm.s32 $0x9;
	_ =	strace $0x8000004B  }
0xb4: {  	_ =	swait.ge [sflag:s29], $0x1  }
0xb5: {  	[sflag:s29] =	ssyncadd.s32 $0xFFFFFFFF  }
0xb6: {  	_ =	strace $0x9000004B  }
0xb7: {  	_ =	sfence  }
0xb8: {  	s30 =	sld [smem:$0x0];
	_ =	sdelay $0x2  }
0xb9: {  	s31 =	sshll.u32 s1, $0xD;
	s1 =	sshrl.u32 s1, $0x2  }
0xba: {  	s3 =	sand.u32 $0x4000, s31;
	s1 =	sadd.s32 s1, s30  }
0xbb: {  	s0 =	sor.u32 s3, s0;
	s1 =	sshll.u32 s1, $0x11  }
0xbc: {  	s0 =	sor.u32 s1, s0  }
0xbd: {  	s0 =	sadd.s32 $0x8F2B, s0  }
0xbe: {  	[sflag:s0] =	ssyncadd.remote.s32 $0x1  }
0xbf: {  	_ =	sfence.sel $0xFFFF  }
0xc0: {  	[dreg:$0x0] =	wrdreg $0xFFFFFFFF;
	(pc) =	sbr.abs _section_cstart, $3  }
0xc1: {  	[dreg:$0x1] =	wrdreg $0xFFFFFFFF  }
0xc2: {  	_ =	task.clear_ibuf [dreg:s7], $0x2FFFF;
	_ =	strace $0x9FFFFFFF  }
0xc3: {  	(tm) =	ssettm $0x7FFFFFFF  }
tec
execute0_lowered:
.L_overlay_start_1:
0x0: {  	(tag) =	ssettag $0x1  }
0x1: {  	s1 =	rddreg [dreg:$0x0]  }
0x2: {  	s0 =	rddreg [dreg:$0x1];
	s2 =	srdreg.scid  }
0x3: {  	s4 =	stileid.u32;
	s3 =	rddreg [dreg:$0x2]  }
0x4: {  	s6 =	simm.s32 $0x0;
	s20 =	simm.s32 $0x2;
	s22 =	simm.s32 $0x80  }
0x5: {  	s23 =	simm.s32 $0x5000;
	s24 =	simm.s32 $0x1;
	s25 =	simm.s32 $0x0  }
0x6: {  	s2 =	sand.u32 $0x1, s2;
	s5 =	sshll.u32 s4, $0x1;
	s7 =	smul.u32 $0x50000, s4  }
0x7: {  	[smem:$0x7FF] =	sst s6;
	s14 =	smul.u32 $0x14000, s4;
	s31 =	sshll.u32 s4, $0x6  }
0x8: {  	s5 =	sor.u32 s2, s5;
	s29 =	ssub.s32 $0x2, s2;
	s2 =	smul.u32 $0x140000, s2  }
0x9: {  	_ =	strace $0x8000004A;
	s5 =	smul.u32 $0x500, s5;
	s8 =	sshrl.u32 s29, $0x1  }
0xa: {  	s30 =	sshrl.u32 s7, $0x2;
	s15 =	sadd.s32 $0x4000, s14;
	s7 =	sor.u32 $0x1C02, s31  }
0xb: {  	s16 =	sadd.s32 $0x8000, s14;
	s17 =	sadd.s32 $0xC000, s14;
	s18 =	sadd.s32 $0x10000, s14  }
0xc: {  	s19 =	ssub.s32 s29, s8;
	s6 =	sadd.s32 s30, s3;
	s8 =	sadd.s32 s15, s3  }
0xd: {  	s9 =	sadd.s32 s16, s3;
	s10 =	sadd.s32 s17, s3;
	s11 =	sadd.s32 s18, s3  }
0xe: {  	s14 =	sadd.s32 s14, s2;
	s15 =	sadd.s32 s2, s15;
	s16 =	sadd.s32 s2, s16  }
0xf: {  	s17 =	sadd.s32 s2, s17;
	s2 =	sadd.s32 s2, s18;
	s13 =	sadd.s32 s5, s0  }
0x10: {  	s5 =	sadd.s32 $0x8C400, s0;
	s0 =	sadd.s32 $0x17000, s0;
	s14 =	sshrl.u32 s14, $0x3  }
0x11: {  	s15 =	sshrl.u32 s15, $0x3;
	s16 =	sshrl.u32 s16, $0x3;
	s17 =	sshrl.u32 s17, $0x3  }
0x12: {  	s2 =	sshrl.u32 s2, $0x3;
	s19 =	smax.u32 s19, $0x1;
	s12 =	sadd.s32 $0xD000, s13  }
0x13: {  	s13 =	sadd.s32 $0x3000, s13;
	s14 =	sadd.s32 s0, s14;
	s15 =	sadd.s32 s0, s15  }
0x14: {  	s16 =	sadd.s32 s0, s16;
	s17 =	sadd.s32 s0, s17;
	s18 =	sadd.s32 s0, s2  }
.LBB2_1:
0x15: {  	s26 =	sshrl.u32 s6, $0x3  }
0x16: {  	[spmem:s26], [sflag:s7] =	dma.local [hbm:s5], $0x800  }
0x17: {  	_ =	swait.ge [sflag:s20], $0x800  }
0x18: {  	[sflag:s20] =	ssyncset.done $0x0  }
0x19: {  	s28 =	sshrl.u32 s8, $0x3;
	[sflag:s20] =	ssyncadd.s32 $0xFFFFF800  }
0x1a: {  	[spmem:s28], [sflag:s7] =	dma.local [hbm:s5], $0x800  }
0x1b: {  	_ =	swait.ge [sflag:s20], $0x800  }
0x1c: {  	[sflag:s20] =	ssyncset.done $0x0  }
0x1d: {  	s29 =	sshrl.u32 s9, $0x3;
	[sflag:s20] =	ssyncadd.s32 $0xFFFFF800  }
0x1e: {  	[spmem:s29], [sflag:s7] =	dma.local [hbm:s5], $0x800  }
0x1f: {  	_ =	swait.ge [sflag:s20], $0x800  }
0x20: {  	[sflag:s20] =	ssyncset.done $0x0  }
0x21: {  	s30 =	sshrl.u32 s10, $0x3;
	[sflag:s20] =	ssyncadd.s32 $0xFFFFF800  }
0x22: {  	[spmem:s30], [sflag:s7] =	dma.local [hbm:s5], $0x800  }
0x23: {  	_ =	swait.ge [sflag:s20], $0x800  }
0x24: {  	[sflag:s20] =	ssyncset.done $0x0  }
0x25: {  	s31 =	sshrl.u32 s11, $0x3;
	[sflag:s20] =	ssyncadd.s32 $0xFFFFF800  }
0x26: {  	[spmem:s31], [sflag:s7] =	dma.local [hbm:s5], $0x800  }
0x27: {  	_ =	swait.ge [sflag:s20], $0x800  }
0x28: {  	[sflag:s20] =	ssyncset.done $0x0  }
0x29: {  	[sflag:s20] =	ssyncadd.s32 $0xFFFFF800  }
0x2a: {  	s0 =	simm.s32 $0x0;
	[bflag:$0x0] =	sbarrier.arrive $0xFFFF  }
0x2b: {  	[tilespmem:s0], [sflag:$0x2] =	stream.linear.gather [hbm4b:s12+s0], $0x2800, $0x38;
	[tilespmem:$0x1D000] =	vst v63  }
0x2c: {  	_ =	swait.ge [sflag:s20], $0x2800  }
0x2d: {  	[sflag:s20] =	ssyncset.done $0x0  }
0x2e: {  	s2 =	simm.s32 $0x2800;
	[sflag:s20] =	ssyncadd.s32 $0xFFFFD800  }
0x2f: {  	[tilespmem:s2], [sflag:$0x2] =	stream.linear.gather [hbm4b:s13+s0], $0x2800, $0x38;
	[tilespmem:$0x1D000] =	vst v63  }
0x30: {  	_ =	swait.ge [sflag:s20], $0x2800  }
0x31: {  	[sflag:s20] =	ssyncset.done $0x0  }
0x32: {  	s4 =	simm.s32 $0x0;
	[sflag:s20] =	ssyncadd.s32 $0xFFFFD800  }
0x33: {  	[tilespmem:s23], [sflag:$0x1] =	stream.indirect.gather [hbm4b:s1+s22], $0x80, s4, s22, $0xb8;
	[tilespmem:$0x1D000] =	vst v63  }
0x34: {  	_ =	swait.ge [sflag:s24], $0x4000  }
0x35: {  	[sflag:s24] =	ssyncset.done $0x0  }
0x36: {  	s21 =	simm.s32 $0x2800;
	[sflag:s24] =	ssyncadd.s32 $0xFFFFC000  }
0x37: {  	[spmem:s3] =	stream.indirect.scatter.add.f32 [tilespmem:s23], [sflag:$0x2], $0x80, s21, s22, $0xb8;
	[tilespmem:$0x1D000] =	vst v63  }
0x38: {  	_ =	swait.ge [sflag:s20], $0x4000  }
0x39: {  	s2 =	simm.s32 $0x200;
	s0 =	simm.s32 $0x400;
	[sflag:s20] =	ssyncset.done $0x0  }
.LBB2_2:
0x3a: {  	s21 =	sshra.s32 s2, $0x2  }
0x3b: {  	[sflag:s20] =	ssyncadd.s32 $0xFFFFC000;
	s2 =	smov.u32 s0;
	s4 =	sadd.s32 $0x200, s0  }
0x3c: {  	[tilespmem:s23], [sflag:$0x1] =	stream.indirect.gather [hbm4b:s1+s22], $0x80, s21, s22, $0xb8;
	[tilespmem:$0x1D000] =	vst v63  }
0x3d: {  	p0 =	sne.s32 s0, $0x9E00;
	_ =	swait.ge [sflag:s24], $0x4000  }
.Ltmp0:
0x3e: {  	[sflag:s24] =	ssyncset.done $0x0;
	(pc) =	sbr.rel @p0 .LBB2_2-.Ltmp0, $4  }
0x3f: {  	s0 =	sadd.s32 $0x2800, s21;
	[sflag:s24] =	ssyncadd.s32 $0xFFFFC000  }
0x40: {  	[spmem:s3] =	stream.indirect.scatter.add.f32 [tilespmem:s23], [sflag:$0x2], $0x80, s0, s22, $0xb8;
	[tilespmem:$0x1D000] =	vst v63  }
0x41: {  	_ =	swait.ge [sflag:s20], $0x4000  }
0x42: {  	s0 =	smov.u32 s4;
	[sflag:s20] =	ssyncset.done $0x0  }
0x43: {  	s0 =	sshra.s32 s2, $0x2;
	[sflag:s20] =	ssyncadd.s32 $0xFFFFC000  }
0x44: {  	[tilespmem:s23], [sflag:$0x1] =	stream.indirect.gather [hbm4b:s1+s22], $0x80, s0, s22, $0xb8;
	[tilespmem:$0x1D000] =	vst v63  }
0x45: {  	_ =	swait.ge [sflag:s24], $0x4000  }
0x46: {  	[sflag:s24] =	ssyncset.done $0x0  }
0x47: {  	s0 =	sadd.s32 $0x2800, s0;
	[sflag:s24] =	ssyncadd.s32 $0xFFFFC000  }
0x48: {  	[spmem:s3] =	stream.indirect.scatter.add.f32 [tilespmem:s23], [sflag:$0x2], $0x80, s0, s22, $0xb8;
	[tilespmem:$0x1D000] =	vst v63  }
0x49: {  	_ =	swait.ge [sflag:s20], $0x4000  }
0x4a: {  	[sflag:s20] =	ssyncset.done $0x0  }
0x4b: {  	[sflag:s20] =	ssyncadd.s32 $0xFFFFC000  }
0x4c: {  	[bflag:$0x0] =	sbarrier.arrive $0xFFFF  }
0x4d: {  	[hbm:s14], [sflag:s7] =	dma.local [spmem:s26], $0x800  }
0x4e: {  	_ =	swait.ge [sflag:s20], $0x800  }
0x4f: {  	[sflag:s20] =	ssyncset.done $0x0  }
0x50: {  	[sflag:s20] =	ssyncadd.s32 $0xFFFFF800  }
0x51: {  	[hbm:s15], [sflag:s7] =	dma.local [spmem:s28], $0x800  }
0x52: {  	_ =	swait.ge [sflag:s20], $0x800  }
0x53: {  	[sflag:s20] =	ssyncset.done $0x0  }
0x54: {  	[sflag:s20] =	ssyncadd.s32 $0xFFFFF800  }
0x55: {  	[hbm:s16], [sflag:s7] =	dma.local [spmem:s29], $0x800  }
0x56: {  	_ =	swait.ge [sflag:s20], $0x800  }
0x57: {  	[sflag:s20] =	ssyncset.done $0x0  }
0x58: {  	[sflag:s20] =	ssyncadd.s32 $0xFFFFF800  }
0x59: {  	[hbm:s17], [sflag:s7] =	dma.local [spmem:s30], $0x800  }
0x5a: {  	s25 =	sadd.s32 $0x1, s25;
	_ =	swait.ge [sflag:s20], $0x800  }
0x5b: {  	p0 =	sne.s32 s25, s19;
	[sflag:s20] =	ssyncset.done $0x0  }
.Ltmp1:
0x5c: {  	[sflag:s20] =	ssyncadd.s32 $0xFFFFF800;
	(pc) =	sbr.rel @p0 .LBB2_1-.Ltmp1, $4  }
0x5d: {  	[hbm:s18], [sflag:s7] =	dma.local [spmem:s31], $0x800  }
0x5e: {  	_ =	swait.ge [sflag:s20], $0x800  }
0x5f: {  	[sflag:s20] =	ssyncset.done $0x0  }
0x60: {  	[sflag:s20] =	ssyncadd.s32 $0xFFFFF800  }
0x61: {  	_ =	sfence.sel $0x180000  }
0x62: {  	[bflag:$0x0] =	sbarrier.arrive $0xFFFF  }
0x63: {  	_ =	strace $0x9000004A  }
0x64: {  	s0 =	stileid.u32;
	[bflag:$0x2] =	sbarrier.arrive $0xFFFF  }
0x65: {  	p0 =	sne.s32 s0, $0x0;
	s0 =	rddreg [dreg:$0x3]  }
0x66: {  	s0 =	sadd.s32 @!p0 $0x100000, s0  }
0x67: {  	[sflag:s0] =	ssyncadd.tile.s32 @!p0 $0x1;
	_ =	shalt  }
.Lfunc_end2:
_tile_overlayer_lowered:
.L_overlay_start_2:
0x68: {  	(tag) =	ssettag $0x2  }
0x69: {  	s0 =	rddreg [dreg:$0x0];
	s2 =	stileid.u32  }
0x6a: {  	s1 =	rddreg [dreg:$0x1];
	p0 =	sne.s32 s2, $0x0  }
0x6b: {  	s3 =	rddreg [dreg:$0x2];
	[bflag:$0x3] =	sbarrier.arrive $0xFFFF;
	s2 =	simm.s32 @!p0 $0x1C02  }
0x6c: {  	[timem:s3], [sflag:s2] =	dma.local @!p0 [hbm:s0], s1  }
0x6d: {  	s0 =	simm.s32 @!p0 $0x2  }
0x6e: {  	_ =	swait.ge @!p0 [sflag:s0], s1  }
0x6f: {  	s1 =	ssub.s32 @!p0 $0x0, s1;
	[sflag:s0] =	ssyncset.done @!p0 $0x0  }
0x70: {  	[sflag:s0] =	ssyncadd.s32 @!p0 s1  }
0x71: {  	[bflag:$0x3] =	sbarrier.arrive $0xFFFF  }
0x72: {  	_ =	shalt  }

// kernel: kernel.15.cloned.1.call-start
scs
__scs_entry_jumppad:
0x0: {  	(pc) =	sbr.rel $0x88, $3  }
0x1: {  	(tag) =	ssettag $0x0;
	lr =	simm.s32 $0x1  }
0x2: {  	[smem:$0x3F96] =	sst lr;
	_ =	strace $0xD0000000  }
0x3: {  	_ = 	snop  }
0x4: {  	_ = 	snop  }
0x5: {  	_ = 	snop  }
0x6: {  	_ = 	snop  }
0x7: {  	_ = 	snop  }
__scs_overlays_trampoline_lowered:
0x8: {  	[smem:$0x3FA5] =	sst s0  }
0x9: {  	[smem:$0x3FA6] =	sst s1  }
0xa: {  	[smem:$0x3FA7] =	sst s2  }
0xb: {  	[smem:$0x3FA8] =	sst s3  }
0xc: {  	[smem:$0x3FA9] =	sst s4  }
0xd: {  	[smem:$0x3FAA] =	sst s5  }
0xe: {  	[smem:$0x3FAB] =	sst s6  }
0xf: {  	[smem:$0x3FAC] =	sst s7  }
0x10: {  	[smem:$0x3FAD] =	sst s8  }
0x11: {  	[smem:$0x3FAE] =	sst s9;
	s0 =	simm.s32 @!p0 $0x0  }
0x12: {  	s1 =	sld [smem:$0x3F94];
	s0 =	simm.s32 @p0 $0x1  }
0x13: {  	[smem:$0x3FAF] =	sst s0;
	s0 =	simm.s32 @!p1 $0x0  }
0x14: {  	s2 =	sld [smem:$0x3F93];
	s0 =	simm.s32 @p1 $0x1  }
0x15: {  	[smem:$0x3FB0] =	sst s0;
	s0 =	simm.s32 @!p2 $0x0  }
0x16: {  	s3 =	sld [smem:$0x3FDB];
	s0 =	simm.s32 @p2 $0x1  }
0x17: {  	s4 =	simm.s32 $0x1BF5;
	[smem:$0x3FB2] =	sst s0  }
0x18: {  	s0 =	sld [smem:$0x3F95];
	_ =	swait.ge [sflag:s4], $0x0  }
0x19: {  	s7 =	sld [smem:$0x3F96]  }
0x1a: {  	s8 =	sadd.s32 $0xFFFFE003, lr  }
0x1b: {  	s9 =	sadd.s32 $0xFFFFFEF7, lr;
	s5 =	simm.s32 $0xFFFFFFFF;
	p2 =	slt.u32 s8, $0xFFFFF086  }
0x1c: {  	p1 =	slt.u32 s9, $0xF7A;
	s5 =	simm.s32 @!p2 $0x0  }
0x1d: {  	s5 =	simm.s32 @p1 $0x1;
	p0 =	seq.s32 s7, s2  }
0x1e: {  	s7 =	smul.u32 @!p0 $0xF7A, s2;
	p2 =	seq.s32 @!p0 s5, $0x0  }
0x1f: {  	s9 =	smul.u32 $0xF7A, s1;
	s8 =	simm.s32 @!p0 $0x1BF5;
	p2 =	por !p2, p0  }
0x20: {  	[sflag:s8] =	ssyncset.s32 @!p0 $0xFFFFF086;
	s6 =	sadd.s32 @!p0 s3, s7;
	s7 =	simm.s32 @!p0 $0x108  }
0x21: {  	s3 =	sadd.s32 s3, s9;
	s6 =	sadd.s32 @!p0 $0x88, s6;
	s7 =	simm.s32 @p2 $0x1082  }
0x22: {  	[simem:s7], [sflag:s8] =	dma.local @!p0 [hbm:s6], $0xF7A  }
0x23: {  	s9 =	sor.u32 $0xD0000000, s2;
	s6 =	simm.s32 $0x108;
	_ =	swait.ge @!p0 [sflag:s8], $0x0  }
0x24: {  	s3 =	sadd.s32 $0x88, s3;
	s6 =	simm.s32 @!p1 $0x1082;
	[sflag:s4] =	ssyncset.s32 $0xFFFFF086  }
0x25: {  	[simem:s6], [sflag:s4] =	dma.local [hbm:s3], $0xF7A  }
0x26: {  	[smem:$0x3F96] =	sst s1;
	(tag) =	ssettag s2;
	_ =	strace s9  }
0x27: {  	s1 =	sld [smem:$0x3FA6]  }
0x28: {  	s2 =	sld [smem:$0x3FA7]  }
0x29: {  	s4 =	sld [smem:$0x3FA9]  }
0x2a: {  	p0 =	seq.s32 s5, $0x0;
	s5 =	sld [smem:$0x3FAA]  }
0x2b: {  	s6 =	sld [smem:$0x3FAB]  }
0x2c: {  	s7 =	sld [smem:$0x3FAC]  }
0x2d: {  	s3 =	simm.s32 $0x108;
	s8 =	sld [smem:$0x3FAD]  }
0x2e: {  	s3 =	simm.s32 @!p0 $0x1082;
	s9 =	sld [smem:$0x3FAE]  }
0x2f: {  	lr =	sadd.s32 s0, s3;
	s0 =	sld [smem:$0x3FA5]  }
0x30: {  	s3 =	sld [smem:$0x3FA8]  }
0x31: {  	[smem:$0x3FB1] =	sst s10  }
0x32: {  	s10 =	sld [smem:$0x3FAF];
	_ =	sdelay $0x3  }
0x33: {  	p0 =	seq.s32 s10, $0x1;
	s10 =	sld [smem:$0x3FB1];
	_ =	sdelay $0x3  }
0x34: {  	[smem:$0x3FB1] =	sst s10  }
0x35: {  	s10 =	sld [smem:$0x3FB0];
	_ =	sdelay $0x3  }
0x36: {  	p1 =	seq.s32 s10, $0x1;
	s10 =	sld [smem:$0x3FB1];
	_ =	sdelay $0x3  }
0x37: {  	[smem:$0x3FB1] =	sst s10  }
0x38: {  	s10 =	sld [smem:$0x3FB2]  }
0x39: {  	_ = 	snop;
	(pc) =	sbr.ind lr, $3  }
0x3a: {  	_ = 	snop  }
0x3b: {  	_ = 	snop  }
0x3c: {  	p2 =	seq.s32 s10, $0x1;
	s10 =	sld [smem:$0x3FB1]  }
0x3d: {  	_ =	shalt  }
0x3e: {  	_ =	shalt  }
0x3f: {  	_ =	shalt  }
0x40: {  	_ =	shalt  }
0x41: {  	_ =	shalt  }
0x42: {  	_ =	shalt  }
0x43: {  	_ =	shalt  }
0x44: {  	_ =	shalt  }
0x45: {  	_ =	shalt  }
0x46: {  	_ =	shalt  }
0x47: {  	_ =	shalt  }
0x48: {  	_ =	shalt  }
0x49: {  	_ =	shalt  }
0x4a: {  	_ =	shalt  }
0x4b: {  	_ =	shalt  }
0x4c: {  	_ =	shalt  }
0x4d: {  	_ =	shalt  }
0x4e: {  	_ =	shalt  }
0x4f: {  	_ =	shalt  }
0x50: {  	_ =	shalt  }
0x51: {  	_ =	shalt  }
0x52: {  	_ =	shalt  }
0x53: {  	_ =	shalt  }
0x54: {  	_ =	shalt  }
0x55: {  	_ =	shalt  }
0x56: {  	_ =	shalt  }
0x57: {  	_ =	shalt  }
0x58: {  	_ =	shalt  }
0x59: {  	_ =	shalt  }
0x5a: {  	_ =	shalt  }
0x5b: {  	_ =	shalt  }
0x5c: {  	_ =	shalt  }
0x5d: {  	_ =	shalt  }
0x5e: {  	_ =	shalt  }
0x5f: {  	_ =	shalt  }
0x60: {  	_ =	shalt  }
0x61: {  	_ =	shalt  }
0x62: {  	_ =	shalt  }
0x63: {  	_ =	shalt  }
0x64: {  	_ =	shalt  }
0x65: {  	_ =	shalt  }
0x66: {  	_ =	shalt  }
0x67: {  	_ =	shalt  }
0x68: {  	_ =	shalt  }
0x69: {  	_ =	shalt  }
0x6a: {  	_ =	shalt  }
0x6b: {  	_ =	shalt  }
0x6c: {  	_ =	shalt  }
0x6d: {  	_ =	shalt  }
0x6e: {  	_ =	shalt  }
0x6f: {  	_ =	shalt  }
0x70: {  	_ =	shalt  }
0x71: {  	_ =	shalt  }
0x72: {  	_ =	shalt  }
0x73: {  	_ =	shalt  }
0x74: {  	_ =	shalt  }
0x75: {  	_ =	shalt  }
0x76: {  	_ =	shalt  }
0x77: {  	_ =	shalt  }
0x78: {  	_ =	shalt  }
0x79: {  	_ =	shalt  }
0x7a: {  	_ =	shalt  }
0x7b: {  	_ =	shalt  }
0x7c: {  	_ =	shalt  }
0x7d: {  	_ =	shalt  }
0x7e: {  	_ =	shalt  }
0x7f: {  	_ =	shalt  }
0x80: {  	_ =	shalt  }
0x81: {  	_ =	shalt  }
0x82: {  	_ =	shalt  }
0x83: {  	_ =	shalt  }
0x84: {  	_ =	shalt  }
0x85: {  	_ =	shalt  }
0x86: {  	_ =	shalt  }
0x87: {  	_ =	shalt  }
.Lfunc_end0:
.L_simem_size_0:
called_computation.2_lowered:
.L_overlay_start_0:
0x88: {  	s2 =	sld [smem:$0x3FD9]  }
0x89: {  	s3 =	sld [smem:$0x3FFE];
	_ =	sdelay $0x1  }
0x8a: {  	s1 =	srdreg.scid  }
0x8b: {  	s0 =	sand.u32 $0x1, s1  }
0x8c: {  	s17 =	sshll.u32 s0, $0xA;
	s2 =	sadd.s32 s3, s2  }
0x8d: {  	s2 =	sadd.s32 s2, s17  }
0x8e: {  	[smem:$0x3FBD] =	sst s2  }
0x8f: {  	_ = 	snop  }
0x90: {  	s2 =	sld [smem:$0x3FD0];
	(tm) =	ssettm $0x1  }
0x91: {  	s18 =	sld [smem:$0x3FFB];
	_ =	sdelay $0x3  }
0x92: {  	_ =	strace s18  }
0x93: {  	s3 =	sld [smem:$0x3FFC];
	_ =	sdelay $0x3  }
0x94: {  	_ =	strace s3  }
0x95: {  	s3 =	sld [smem:$0x3FFD];
	_ =	sdelay $0x3  }
0x96: {  	_ =	strace s3  }
0x97: {  	_ =	strace $0x8FFFFFFF  }
0x98: {  	s19 =	sld [smem:$0x3FDB];
	_ =	sdelay $0x1  }
0x99: {  	s4 =	simm.s32 $_scs_section_size  }
0x9a: {  	s5 =	simm.s32 $_size__tile_overlayer_lowered;
	s6 =	simm.s32 $_tile_overlayer_lowered  }
0x9b: {  	s22 =	simm.s32 $0x1BFF;
	s21 =	sshll.u32 s6, $0x1;
	s3 =	sadd.s32 s4, s19  }
0x9c: {  	s7 =	simm.s32 $0x0;
	s20 =	sshll.u32 s5, $0x1;
	s5 =	sadd.s32 s21, s3  }
0x9d: {  	[timem:s7], [sflag:s22] =	dma.local [hbm:s5], s20  }
0x9e: {  	_ =	swait.ge [sflag:s22], s20  }
0x9f: {  	s4 =	ssub.s32 $0x0, s20;
	[sflag:s22] =	ssyncset.done $0x0  }
0xa0: {  	[sflag:s22] =	ssyncadd.s32 s4;
	_ =	sdelay $0x1  }
0xa1: {  	s23 =	simm.s32 $0x1B8B  }
0xa2: {  	_ =	swait.ge [sflag:s23], $0x1  }
0xa3: {  	[sflag:s23] =	ssyncset.done $0x0  }
0xa4: {  	s25 =	simm.s32 $0x1B8E;
	s24 =	sld [smem:$0x3FFE];
	[sflag:s23] =	ssyncadd.s32 $0xFFFFFFFF  }
0xa5: {  	s26 =	simm.s32 $execute0_lowered;
	[smem:$0x3FD2] =	sst s25  }
0xa6: {  	s5 =	sshll.u32 s26, $0x1;
	_ =	strace $0x8000004C;
	[dreg:$0x1] =	wrdreg $0xFFFFFFFF  }
0xa7: {  	s28 =	simm.s32 $_size_execute0_lowered;
	s3 =	sadd.s32 s3, s5;
	[dreg:$0x0] =	wrdreg $0x0  }
0xa8: {  	s5 =	sshll.u32 s28, $0x1;
	[dreg:$0x2] =	wrdreg s3  }
0xa9: {  	[dreg:$0x3] =	wrdreg s5  }
0xaa: {  	[dreg:$0x4] =	wrdreg $0xC0  }
0xab: {  	_ =	task [dreg:s7], $0x5FFFF  }
0xac: {  	[dreg:$0x1] =	wrdreg $0xFFFFFFFF  }
0xad: {  	[dreg:$0x0] =	wrdreg $0x60  }
0xae: {  	[dreg:$0x2] =	wrdreg s2  }
0xaf: {  	[dreg:$0x3] =	wrdreg s24  }
0xb0: {  	[dreg:$0x4] =	wrdreg $0x90000  }
0xb1: {  	[dreg:$0x5] =	wrdreg $0x9  }
0xb2: {  	_ =	task.clear_ibuf [dreg:s7], $0x6FFFF;
	_ =	strace $0x9000004C  }
0xb3: {  	s29 =	simm.s32 $0x9;
	_ =	strace $0x8000004E  }
0xb4: {  	_ =	swait.ge [sflag:s29], $0x1  }
0xb5: {  	[sflag:s29] =	ssyncadd.s32 $0xFFFFFFFF  }
0xb6: {  	_ =	strace $0x9000004E  }
0xb7: {  	_ =	sfence  }
0xb8: {  	s30 =	sld [smem:$0x0];
	_ =	sdelay $0x2  }
0xb9: {  	s31 =	sshll.u32 s1, $0xD;
	s1 =	sshrl.u32 s1, $0x2  }
0xba: {  	s3 =	sand.u32 $0x4000, s31;
	s1 =	sadd.s32 s1, s30  }
0xbb: {  	s0 =	sor.u32 s3, s0;
	s1 =	sshll.u32 s1, $0x11  }
0xbc: {  	s0 =	sor.u32 s1, s0  }
0xbd: {  	s0 =	sadd.s32 $0x8F2B, s0  }
0xbe: {  	[sflag:s0] =	ssyncadd.remote.s32 $0x1  }
0xbf: {  	_ =	sfence.sel $0xFFFF  }
0xc0: {  	[dreg:$0x0] =	wrdreg $0xFFFFFFFF;
	(pc) =	sbr.abs _section_cstart, $3  }
0xc1: {  	[dreg:$0x1] =	wrdreg $0xFFFFFFFF  }
0xc2: {  	_ =	task.clear_ibuf [dreg:s7], $0x2FFFF;
	_ =	strace $0x9FFFFFFF  }
0xc3: {  	(tm) =	ssettm $0x7FFFFFFF  }
tec
execute0_lowered:
.L_overlay_start_1:
0x0: {  	(tag) =	ssettag $0x1  }
0x1: {  	s1 =	rddreg [dreg:$0x0]  }
0x2: {  	s0 =	rddreg [dreg:$0x1];
	s2 =	srdreg.scid  }
0x3: {  	s4 =	stileid.u32;
	s3 =	rddreg [dreg:$0x2]  }
0x4: {  	s6 =	simm.s32 $0x0;
	s20 =	simm.s32 $0x2;
	s22 =	simm.s32 $0x80  }
0x5: {  	s23 =	simm.s32 $0x5000;
	s24 =	simm.s32 $0x1;
	s25 =	simm.s32 $0x0  }
0x6: {  	s2 =	sand.u32 $0x1, s2;
	s5 =	sshll.u32 s4, $0x1;
	s7 =	smul.u32 $0x50000, s4  }
0x7: {  	[smem:$0x7FF] =	sst s6;
	s14 =	smul.u32 $0x14000, s4;
	s31 =	sshll.u32 s4, $0x6  }
0x8: {  	s5 =	sor.u32 s2, s5;
	s29 =	ssub.s32 $0x2, s2;
	s2 =	smul.u32 $0x140000, s2  }
0x9: {  	_ =	strace $0x8000004D;
	s5 =	smul.u32 $0x500, s5;
	s8 =	sshrl.u32 s29, $0x1  }
0xa: {  	s30 =	sshrl.u32 s7, $0x2;
	s15 =	sadd.s32 $0x4000, s14;
	s7 =	sor.u32 $0x1C02, s31  }
0xb: {  	s16 =	sadd.s32 $0x8000, s14;
	s17 =	sadd.s32 $0xC000, s14;
	s18 =	sadd.s32 $0x10000, s14  }
0xc: {  	s19 =	ssub.s32 s29, s8;
	s6 =	sadd.s32 s30, s3;
	s8 =	sadd.s32 s15, s3  }
0xd: {  	s9 =	sadd.s32 s16, s3;
	s10 =	sadd.s32 s17, s3;
	s11 =	sadd.s32 s18, s3  }
0xe: {  	s14 =	sadd.s32 s14, s2;
	s15 =	sadd.s32 s2, s15;
	s16 =	sadd.s32 s2, s16  }
0xf: {  	s17 =	sadd.s32 s2, s17;
	s2 =	sadd.s32 s2, s18;
	s13 =	sadd.s32 s5, s0  }
0x10: {  	s5 =	sadd.s32 $0x8C400, s0;
	s0 =	sadd.s32 $0x8CC00, s0;
	s14 =	sshrl.u32 s14, $0x3  }
0x11: {  	s15 =	sshrl.u32 s15, $0x3;
	s16 =	sshrl.u32 s16, $0x3;
	s17 =	sshrl.u32 s17, $0x3  }
0x12: {  	s2 =	sshrl.u32 s2, $0x3;
	s19 =	smax.u32 s19, $0x1;
	s12 =	sadd.s32 $0xD000, s13  }
0x13: {  	s13 =	sadd.s32 $0x3000, s13;
	s14 =	sadd.s32 s0, s14;
	s15 =	sadd.s32 s0, s15  }
0x14: {  	s16 =	sadd.s32 s0, s16;
	s17 =	sadd.s32 s0, s17;
	s18 =	sadd.s32 s0, s2  }
.LBB2_1:
0x15: {  	s26 =	sshrl.u32 s6, $0x3  }
0x16: {  	[spmem:s26], [sflag:s7] =	dma.local [hbm:s5], $0x800  }
0x17: {  	_ =	swait.ge [sflag:s20], $0x800  }
0x18: {  	[sflag:s20] =	ssyncset.done $0x0  }
0x19: {  	s28 =	sshrl.u32 s8, $0x3;
	[sflag:s20] =	ssyncadd.s32 $0xFFFFF800  }
0x1a: {  	[spmem:s28], [sflag:s7] =	dma.local [hbm:s5], $0x800  }
0x1b: {  	_ =	swait.ge [sflag:s20], $0x800  }
0x1c: {  	[sflag:s20] =	ssyncset.done $0x0  }
0x1d: {  	s29 =	sshrl.u32 s9, $0x3;
	[sflag:s20] =	ssyncadd.s32 $0xFFFFF800  }
0x1e: {  	[spmem:s29], [sflag:s7] =	dma.local [hbm:s5], $0x800  }
0x1f: {  	_ =	swait.ge [sflag:s20], $0x800  }
0x20: {  	[sflag:s20] =	ssyncset.done $0x0  }
0x21: {  	s30 =	sshrl.u32 s10, $0x3;
	[sflag:s20] =	ssyncadd.s32 $0xFFFFF800  }
0x22: {  	[spmem:s30], [sflag:s7] =	dma.local [hbm:s5], $0x800  }
0x23: {  	_ =	swait.ge [sflag:s20], $0x800  }
0x24: {  	[sflag:s20] =	ssyncset.done $0x0  }
0x25: {  	s31 =	sshrl.u32 s11, $0x3;
	[sflag:s20] =	ssyncadd.s32 $0xFFFFF800  }
0x26: {  	[spmem:s31], [sflag:s7] =	dma.local [hbm:s5], $0x800  }
0x27: {  	_ =	swait.ge [sflag:s20], $0x800  }
0x28: {  	[sflag:s20] =	ssyncset.done $0x0  }
0x29: {  	[sflag:s20] =	ssyncadd.s32 $0xFFFFF800  }
0x2a: {  	s0 =	simm.s32 $0x0;
	[bflag:$0x0] =	sbarrier.arrive $0xFFFF  }
0x2b: {  	[tilespmem:s0], [sflag:$0x2] =	stream.linear.gather [hbm4b:s12+s0], $0x2800, $0x38;
	[tilespmem:$0x1D000] =	vst v63  }
0x2c: {  	_ =	swait.ge [sflag:s20], $0x2800  }
0x2d: {  	[sflag:s20] =	ssyncset.done $0x0  }
0x2e: {  	s2 =	simm.s32 $0x2800;
	[sflag:s20] =	ssyncadd.s32 $0xFFFFD800  }
0x2f: {  	[tilespmem:s2], [sflag:$0x2] =	stream.linear.gather [hbm4b:s13+s0], $0x2800, $0x38;
	[tilespmem:$0x1D000] =	vst v63  }
0x30: {  	_ =	swait.ge [sflag:s20], $0x2800  }
0x31: {  	[sflag:s20] =	ssyncset.done $0x0  }
0x32: {  	s4 =	simm.s32 $0x0;
	[sflag:s20] =	ssyncadd.s32 $0xFFFFD800  }
0x33: {  	[tilespmem:s23], [sflag:$0x1] =	stream.indirect.gather [hbm4b:s1+s22], $0x80, s4, s22, $0xb8;
	[tilespmem:$0x1D000] =	vst v63  }
0x34: {  	_ =	swait.ge [sflag:s24], $0x4000  }
0x35: {  	[sflag:s24] =	ssyncset.done $0x0  }
0x36: {  	s21 =	simm.s32 $0x2800;
	[sflag:s24] =	ssyncadd.s32 $0xFFFFC000  }
0x37: {  	[spmem:s3] =	stream.indirect.scatter.add.f32 [tilespmem:s23], [sflag:$0x2], $0x80, s21, s22, $0xb8;
	[tilespmem:$0x1D000] =	vst v63  }
0x38: {  	_ =	swait.ge [sflag:s20], $0x4000  }
0x39: {  	s2 =	simm.s32 $0x200;
	s0 =	simm.s32 $0x400;
	[sflag:s20] =	ssyncset.done $0x0  }
.LBB2_2:
0x3a: {  	s21 =	sshra.s32 s2, $0x2  }
0x3b: {  	[sflag:s20] =	ssyncadd.s32 $0xFFFFC000;
	s2 =	smov.u32 s0;
	s4 =	sadd.s32 $0x200, s0  }
0x3c: {  	[tilespmem:s23], [sflag:$0x1] =	stream.indirect.gather [hbm4b:s1+s22], $0x80, s21, s22, $0xb8;
	[tilespmem:$0x1D000] =	vst v63  }
0x3d: {  	p0 =	sne.s32 s0, $0x9E00;
	_ =	swait.ge [sflag:s24], $0x4000  }
.Ltmp0:
0x3e: {  	[sflag:s24] =	ssyncset.done $0x0;
	(pc) =	sbr.rel @p0 .LBB2_2-.Ltmp0, $4  }
0x3f: {  	s0 =	sadd.s32 $0x2800, s21;
	[sflag:s24] =	ssyncadd.s32 $0xFFFFC000  }
0x40: {  	[spmem:s3] =	stream.indirect.scatter.add.f32 [tilespmem:s23], [sflag:$0x2], $0x80, s0, s22, $0xb8;
	[tilespmem:$0x1D000] =	vst v63  }
0x41: {  	_ =	swait.ge [sflag:s20], $0x4000  }
0x42: {  	s0 =	smov.u32 s4;
	[sflag:s20] =	ssyncset.done $0x0  }
0x43: {  	s0 =	sshra.s32 s2, $0x2;
	[sflag:s20] =	ssyncadd.s32 $0xFFFFC000  }
0x44: {  	[tilespmem:s23], [sflag:$0x1] =	stream.indirect.gather [hbm4b:s1+s22], $0x80, s0, s22, $0xb8;
	[tilespmem:$0x1D000] =	vst v63  }
0x45: {  	_ =	swait.ge [sflag:s24], $0x4000  }
0x46: {  	[sflag:s24] =	ssyncset.done $0x0  }
0x47: {  	s0 =	sadd.s32 $0x2800, s0;
	[sflag:s24] =	ssyncadd.s32 $0xFFFFC000  }
0x48: {  	[spmem:s3] =	stream.indirect.scatter.add.f32 [tilespmem:s23], [sflag:$0x2], $0x80, s0, s22, $0xb8;
	[tilespmem:$0x1D000] =	vst v63  }
0x49: {  	_ =	swait.ge [sflag:s20], $0x4000  }
0x4a: {  	[sflag:s20] =	ssyncset.done $0x0  }
0x4b: {  	[sflag:s20] =	ssyncadd.s32 $0xFFFFC000  }
0x4c: {  	[bflag:$0x0] =	sbarrier.arrive $0xFFFF  }
0x4d: {  	[hbm:s14], [sflag:s7] =	dma.local [spmem:s26], $0x800  }
0x4e: {  	_ =	swait.ge [sflag:s20], $0x800  }
0x4f: {  	[sflag:s20] =	ssyncset.done $0x0  }
0x50: {  	[sflag:s20] =	ssyncadd.s32 $0xFFFFF800  }
0x51: {  	[hbm:s15], [sflag:s7] =	dma.local [spmem:s28], $0x800  }
0x52: {  	_ =	swait.ge [sflag:s20], $0x800  }
0x53: {  	[sflag:s20] =	ssyncset.done $0x0  }
0x54: {  	[sflag:s20] =	ssyncadd.s32 $0xFFFFF800  }
0x55: {  	[hbm:s16], [sflag:s7] =	dma.local [spmem:s29], $0x800  }
0x56: {  	_ =	swait.ge [sflag:s20], $0x800  }
0x57: {  	[sflag:s20] =	ssyncset.done $0x0  }
0x58: {  	[sflag:s20] =	ssyncadd.s32 $0xFFFFF800  }
0x59: {  	[hbm:s17], [sflag:s7] =	dma.local [spmem:s30], $0x800  }
0x5a: {  	s25 =	sadd.s32 $0x1, s25;
	_ =	swait.ge [sflag:s20], $0x800  }
0x5b: {  	p0 =	sne.s32 s25, s19;
	[sflag:s20] =	ssyncset.done $0x0  }
.Ltmp1:
0x5c: {  	[sflag:s20] =	ssyncadd.s32 $0xFFFFF800;
	(pc) =	sbr.rel @p0 .LBB2_1-.Ltmp1, $4  }
0x5d: {  	[hbm:s18], [sflag:s7] =	dma.local [spmem:s31], $0x800  }
0x5e: {  	_ =	swait.ge [sflag:s20], $0x800  }
0x5f: {  	[sflag:s20] =	ssyncset.done $0x0  }
0x60: {  	[sflag:s20] =	ssyncadd.s32 $0xFFFFF800  }
0x61: {  	_ =	sfence.sel $0x180000  }
0x62: {  	[bflag:$0x0] =	sbarrier.arrive $0xFFFF  }
0x63: {  	_ =	strace $0x9000004D  }
0x64: {  	s0 =	stileid.u32;
	[bflag:$0x2] =	sbarrier.arrive $0xFFFF  }
0x65: {  	p0 =	sne.s32 s0, $0x0;
	s0 =	rddreg [dreg:$0x3]  }
0x66: {  	s0 =	sadd.s32 @!p0 $0x100000, s0  }
0x67: {  	[sflag:s0] =	ssyncadd.tile.s32 @!p0 $0x1;
	_ =	shalt  }
.Lfunc_end2:
_tile_overlayer_lowered:
.L_overlay_start_2:
0x68: {  	(tag) =	ssettag $0x2  }
0x69: {  	s0 =	rddreg [dreg:$0x0];
	s2 =	stileid.u32  }
0x6a: {  	s1 =	rddreg [dreg:$0x1];
	p0 =	sne.s32 s2, $0x0  }
0x6b: {  	s3 =	rddreg [dreg:$0x2];
	[bflag:$0x3] =	sbarrier.arrive $0xFFFF;
	s2 =	simm.s32 @!p0 $0x1C02  }
0x6c: {  	[timem:s3], [sflag:s2] =	dma.local @!p0 [hbm:s0], s1  }
0x6d: {  	s0 =	simm.s32 @!p0 $0x2  }
0x6e: {  	_ =	swait.ge @!p0 [sflag:s0], s1  }
0x6f: {  	s1 =	ssub.s32 @!p0 $0x0, s1;
	[sflag:s0] =	ssyncset.done @!p0 $0x0  }
0x70: {  	[sflag:s0] =	ssyncadd.s32 @!p0 s1  }
0x71: {  	[bflag:$0x3] =	sbarrier.arrive $0xFFFF  }
0x72: {  	_ =	shalt  }

// kernel: kernel.9.cloned.1.call-start
scs
__scs_entry_jumppad:
0x0: {  	(pc) =	sbr.rel $0x88, $3  }
0x1: {  	(tag) =	ssettag $0x0;
	lr =	simm.s32 $0x1  }
0x2: {  	[smem:$0x3F96] =	sst lr;
	_ =	strace $0xD0000000  }
0x3: {  	_ = 	snop  }
0x4: {  	_ = 	snop  }
0x5: {  	_ = 	snop  }
0x6: {  	_ = 	snop  }
0x7: {  	_ = 	snop  }
__scs_overlays_trampoline_lowered:
0x8: {  	[smem:$0x3FA5] =	sst s0  }
0x9: {  	[smem:$0x3FA6] =	sst s1  }
0xa: {  	[smem:$0x3FA7] =	sst s2  }
0xb: {  	[smem:$0x3FA8] =	sst s3  }
0xc: {  	[smem:$0x3FA9] =	sst s4  }
0xd: {  	[smem:$0x3FAA] =	sst s5  }
0xe: {  	[smem:$0x3FAB] =	sst s6  }
0xf: {  	[smem:$0x3FAC] =	sst s7  }
0x10: {  	[smem:$0x3FAD] =	sst s8  }
0x11: {  	[smem:$0x3FAE] =	sst s9;
	s0 =	simm.s32 @!p0 $0x0  }
0x12: {  	s1 =	sld [smem:$0x3F94];
	s0 =	simm.s32 @p0 $0x1  }
0x13: {  	[smem:$0x3FAF] =	sst s0;
	s0 =	simm.s32 @!p1 $0x0  }
0x14: {  	s2 =	sld [smem:$0x3F93];
	s0 =	simm.s32 @p1 $0x1  }
0x15: {  	[smem:$0x3FB0] =	sst s0;
	s0 =	simm.s32 @!p2 $0x0  }
0x16: {  	s3 =	sld [smem:$0x3FDB];
	s0 =	simm.s32 @p2 $0x1  }
0x17: {  	s4 =	simm.s32 $0x1BF5;
	[smem:$0x3FB2] =	sst s0  }
0x18: {  	s0 =	sld [smem:$0x3F95];
	_ =	swait.ge [sflag:s4], $0x0  }
0x19: {  	s7 =	sld [smem:$0x3F96]  }
0x1a: {  	s8 =	sadd.s32 $0xFFFFE003, lr  }
0x1b: {  	s9 =	sadd.s32 $0xFFFFFEF7, lr;
	s5 =	simm.s32 $0xFFFFFFFF;
	p2 =	slt.u32 s8, $0xFFFFF086  }
0x1c: {  	p1 =	slt.u32 s9, $0xF7A;
	s5 =	simm.s32 @!p2 $0x0  }
0x1d: {  	s5 =	simm.s32 @p1 $0x1;
	p0 =	seq.s32 s7, s2  }
0x1e: {  	s7 =	smul.u32 @!p0 $0xF7A, s2;
	p2 =	seq.s32 @!p0 s5, $0x0  }
0x1f: {  	s9 =	smul.u32 $0xF7A, s1;
	s8 =	simm.s32 @!p0 $0x1BF5;
	p2 =	por !p2, p0  }
0x20: {  	[sflag:s8] =	ssyncset.s32 @!p0 $0xFFFFF086;
	s6 =	sadd.s32 @!p0 s3, s7;
	s7 =	simm.s32 @!p0 $0x108  }
0x21: {  	s3 =	sadd.s32 s3, s9;
	s6 =	sadd.s32 @!p0 $0x88, s6;
	s7 =	simm.s32 @p2 $0x1082  }
0x22: {  	[simem:s7], [sflag:s8] =	dma.local @!p0 [hbm:s6], $0xF7A  }
0x23: {  	s9 =	sor.u32 $0xD0000000, s2;
	s6 =	simm.s32 $0x108;
	_ =	swait.ge @!p0 [sflag:s8], $0x0  }
0x24: {  	s3 =	sadd.s32 $0x88, s3;
	s6 =	simm.s32 @!p1 $0x1082;
	[sflag:s4] =	ssyncset.s32 $0xFFFFF086  }
0x25: {  	[simem:s6], [sflag:s4] =	dma.local [hbm:s3], $0xF7A  }
0x26: {  	[smem:$0x3F96] =	sst s1;
	(tag) =	ssettag s2;
	_ =	strace s9  }
0x27: {  	s1 =	sld [smem:$0x3FA6]  }
0x28: {  	s2 =	sld [smem:$0x3FA7]  }
0x29: {  	s4 =	sld [smem:$0x3FA9]  }
0x2a: {  	p0 =	seq.s32 s5, $0x0;
	s5 =	sld [smem:$0x3FAA]  }
0x2b: {  	s6 =	sld [smem:$0x3FAB]  }
0x2c: {  	s7 =	sld [smem:$0x3FAC]  }
0x2d: {  	s3 =	simm.s32 $0x108;
	s8 =	sld [smem:$0x3FAD]  }
0x2e: {  	s3 =	simm.s32 @!p0 $0x1082;
	s9 =	sld [smem:$0x3FAE]  }
0x2f: {  	lr =	sadd.s32 s0, s3;
	s0 =	sld [smem:$0x3FA5]  }
0x30: {  	s3 =	sld [smem:$0x3FA8]  }
0x31: {  	[smem:$0x3FB1] =	sst s10  }
0x32: {  	s10 =	sld [smem:$0x3FAF];
	_ =	sdelay $0x3  }
0x33: {  	p0 =	seq.s32 s10, $0x1;
	s10 =	sld [smem:$0x3FB1];
	_ =	sdelay $0x3  }
0x34: {  	[smem:$0x3FB1] =	sst s10  }
0x35: {  	s10 =	sld [smem:$0x3FB0];
	_ =	sdelay $0x3  }
0x36: {  	p1 =	seq.s32 s10, $0x1;
	s10 =	sld [smem:$0x3FB1];
	_ =	sdelay $0x3  }
0x37: {  	[smem:$0x3FB1] =	sst s10  }
0x38: {  	s10 =	sld [smem:$0x3FB2]  }
0x39: {  	_ = 	snop;
	(pc) =	sbr.ind lr, $3  }
0x3a: {  	_ = 	snop  }
0x3b: {  	_ = 	snop  }
0x3c: {  	p2 =	seq.s32 s10, $0x1;
	s10 =	sld [smem:$0x3FB1]  }
0x3d: {  	_ =	shalt  }
0x3e: {  	_ =	shalt  }
0x3f: {  	_ =	shalt  }
0x40: {  	_ =	shalt  }
0x41: {  	_ =	shalt  }
0x42: {  	_ =	shalt  }
0x43: {  	_ =	shalt  }
0x44: {  	_ =	shalt  }
0x45: {  	_ =	shalt  }
0x46: {  	_ =	shalt  }
0x47: {  	_ =	shalt  }
0x48: {  	_ =	shalt  }
0x49: {  	_ =	shalt  }
0x4a: {  	_ =	shalt  }
0x4b: {  	_ =	shalt  }
0x4c: {  	_ =	shalt  }
0x4d: {  	_ =	shalt  }
0x4e: {  	_ =	shalt  }
0x4f: {  	_ =	shalt  }
0x50: {  	_ =	shalt  }
0x51: {  	_ =	shalt  }
0x52: {  	_ =	shalt  }
0x53: {  	_ =	shalt  }
0x54: {  	_ =	shalt  }
0x55: {  	_ =	shalt  }
0x56: {  	_ =	shalt  }
0x57: {  	_ =	shalt  }
0x58: {  	_ =	shalt  }
0x59: {  	_ =	shalt  }
0x5a: {  	_ =	shalt  }
0x5b: {  	_ =	shalt  }
0x5c: {  	_ =	shalt  }
0x5d: {  	_ =	shalt  }
0x5e: {  	_ =	shalt  }
0x5f: {  	_ =	shalt  }
0x60: {  	_ =	shalt  }
0x61: {  	_ =	shalt  }
0x62: {  	_ =	shalt  }
0x63: {  	_ =	shalt  }
0x64: {  	_ =	shalt  }
0x65: {  	_ =	shalt  }
0x66: {  	_ =	shalt  }
0x67: {  	_ =	shalt  }
0x68: {  	_ =	shalt  }
0x69: {  	_ =	shalt  }
0x6a: {  	_ =	shalt  }
0x6b: {  	_ =	shalt  }
0x6c: {  	_ =	shalt  }
0x6d: {  	_ =	shalt  }
0x6e: {  	_ =	shalt  }
0x6f: {  	_ =	shalt  }
0x70: {  	_ =	shalt  }
0x71: {  	_ =	shalt  }
0x72: {  	_ =	shalt  }
0x73: {  	_ =	shalt  }
0x74: {  	_ =	shalt  }
0x75: {  	_ =	shalt  }
0x76: {  	_ =	shalt  }
0x77: {  	_ =	shalt  }
0x78: {  	_ =	shalt  }
0x79: {  	_ =	shalt  }
0x7a: {  	_ =	shalt  }
0x7b: {  	_ =	shalt  }
0x7c: {  	_ =	shalt  }
0x7d: {  	_ =	shalt  }
0x7e: {  	_ =	shalt  }
0x7f: {  	_ =	shalt  }
0x80: {  	_ =	shalt  }
0x81: {  	_ =	shalt  }
0x82: {  	_ =	shalt  }
0x83: {  	_ =	shalt  }
0x84: {  	_ =	shalt  }
0x85: {  	_ =	shalt  }
0x86: {  	_ =	shalt  }
0x87: {  	_ =	shalt  }
.Lfunc_end0:
.L_simem_size_0:
called_computation_lowered:
.L_overlay_start_0:
0x88: {  	s2 =	sld [smem:$0x3FD9]  }
0x89: {  	s3 =	sld [smem:$0x3FFE];
	_ =	sdelay $0x1  }
0x8a: {  	s1 =	srdreg.scid  }
0x8b: {  	s0 =	sand.u32 $0x1, s1  }
0x8c: {  	s17 =	sshll.u32 s0, $0xA;
	s2 =	sadd.s32 s3, s2  }
0x8d: {  	s2 =	sadd.s32 s2, s17  }
0x8e: {  	[smem:$0x3FBD] =	sst s2  }
0x8f: {  	_ = 	snop  }
0x90: {  	s2 =	sld [smem:$0x3FD0];
	(tm) =	ssettm $0x1  }
0x91: {  	s18 =	sld [smem:$0x3FFB];
	_ =	sdelay $0x3  }
0x92: {  	_ =	strace s18  }
0x93: {  	s3 =	sld [smem:$0x3FFC];
	_ =	sdelay $0x3  }
0x94: {  	_ =	strace s3  }
0x95: {  	s3 =	sld [smem:$0x3FFD];
	_ =	sdelay $0x3  }
0x96: {  	_ =	strace s3  }
0x97: {  	_ =	strace $0x8FFFFFFF  }
0x98: {  	s19 =	sld [smem:$0x3FDB];
	_ =	sdelay $0x1  }
0x99: {  	s4 =	simm.s32 $_scs_section_size  }
0x9a: {  	s5 =	simm.s32 $_size__tile_overlayer_lowered;
	s6 =	simm.s32 $_tile_overlayer_lowered  }
0x9b: {  	s22 =	simm.s32 $0x1BFF;
	s21 =	sshll.u32 s6, $0x1;
	s3 =	sadd.s32 s4, s19  }
0x9c: {  	s7 =	simm.s32 $0x0;
	s20 =	sshll.u32 s5, $0x1;
	s5 =	sadd.s32 s21, s3  }
0x9d: {  	[timem:s7], [sflag:s22] =	dma.local [hbm:s5], s20  }
0x9e: {  	_ =	swait.ge [sflag:s22], s20  }
0x9f: {  	s4 =	ssub.s32 $0x0, s20;
	[sflag:s22] =	ssyncset.done $0x0  }
0xa0: {  	[sflag:s22] =	ssyncadd.s32 s4;
	_ =	sdelay $0x1  }
0xa1: {  	s23 =	simm.s32 $0x1B8B  }
0xa2: {  	_ =	swait.ge [sflag:s23], $0x1  }
0xa3: {  	[sflag:s23] =	ssyncset.done $0x0  }
0xa4: {  	s25 =	simm.s32 $0x1B8E;
	s24 =	sld [smem:$0x3FFE];
	[sflag:s23] =	ssyncadd.s32 $0xFFFFFFFF  }
0xa5: {  	s26 =	simm.s32 $execute0_lowered;
	[smem:$0x3FD2] =	sst s25  }
0xa6: {  	s5 =	sshll.u32 s26, $0x1;
	_ =	strace $0x80000046;
	[dreg:$0x1] =	wrdreg $0xFFFFFFFF  }
0xa7: {  	s28 =	simm.s32 $_size_execute0_lowered;
	s3 =	sadd.s32 s3, s5;
	[dreg:$0x0] =	wrdreg $0x0  }
0xa8: {  	s5 =	sshll.u32 s28, $0x1;
	[dreg:$0x2] =	wrdreg s3  }
0xa9: {  	[dreg:$0x3] =	wrdreg s5  }
0xaa: {  	[dreg:$0x4] =	wrdreg $0xC0  }
0xab: {  	_ =	task [dreg:s7], $0x5FFFF  }
0xac: {  	[dreg:$0x1] =	wrdreg $0xFFFFFFFF  }
0xad: {  	[dreg:$0x0] =	wrdreg $0x60  }
0xae: {  	[dreg:$0x2] =	wrdreg s2  }
0xaf: {  	[dreg:$0x3] =	wrdreg s24  }
0xb0: {  	[dreg:$0x4] =	wrdreg $0x90000  }
0xb1: {  	[dreg:$0x5] =	wrdreg $0x9  }
0xb2: {  	_ =	task.clear_ibuf [dreg:s7], $0x6FFFF;
	_ =	strace $0x90000046  }
0xb3: {  	s29 =	simm.s32 $0x9;
	_ =	strace $0x80000048  }
0xb4: {  	_ =	swait.ge [sflag:s29], $0x1  }
0xb5: {  	[sflag:s29] =	ssyncadd.s32 $0xFFFFFFFF  }
0xb6: {  	_ =	strace $0x90000048  }
0xb7: {  	_ =	sfence  }
0xb8: {  	s30 =	sld [smem:$0x0];
	_ =	sdelay $0x2  }
0xb9: {  	s31 =	sshll.u32 s1, $0xD;
	s1 =	sshrl.u32 s1, $0x2  }
0xba: {  	s3 =	sand.u32 $0x4000, s31;
	s1 =	sadd.s32 s1, s30  }
0xbb: {  	s0 =	sor.u32 s3, s0;
	s1 =	sshll.u32 s1, $0x11  }
0xbc: {  	s0 =	sor.u32 s1, s0  }
0xbd: {  	s0 =	sadd.s32 $0x8F2B, s0  }
0xbe: {  	[sflag:s0] =	ssyncadd.remote.s32 $0x1  }
0xbf: {  	_ =	sfence.sel $0xFFFF  }
0xc0: {  	[dreg:$0x0] =	wrdreg $0xFFFFFFFF;
	(pc) =	sbr.abs _section_cstart, $3  }
0xc1: {  	[dreg:$0x1] =	wrdreg $0xFFFFFFFF  }
0xc2: {  	_ =	task.clear_ibuf [dreg:s7], $0x2FFFF;
	_ =	strace $0x9FFFFFFF  }
0xc3: {  	(tm) =	ssettm $0x7FFFFFFF  }
tec
execute0_lowered:
.L_overlay_start_1:
0x0: {  	(tag) =	ssettag $0x1  }
0x1: {  	s1 =	rddreg [dreg:$0x0]  }
0x2: {  	s0 =	rddreg [dreg:$0x1];
	s2 =	srdreg.scid  }
0x3: {  	s4 =	stileid.u32;
	s3 =	rddreg [dreg:$0x2]  }
0x4: {  	s6 =	simm.s32 $0x0;
	s20 =	simm.s32 $0x2;
	s22 =	simm.s32 $0x80  }
0x5: {  	s23 =	simm.s32 $0x5000;
	s24 =	simm.s32 $0x1;
	s25 =	simm.s32 $0x0  }
0x6: {  	s2 =	sand.u32 $0x1, s2;
	s5 =	sshll.u32 s4, $0x1;
	s7 =	smul.u32 $0x50000, s4  }
0x7: {  	[smem:$0x7FF] =	sst s6;
	s14 =	smul.u32 $0x14000, s4;
	s31 =	sshll.u32 s4, $0x6  }
0x8: {  	s5 =	sor.u32 s2, s5;
	s29 =	ssub.s32 $0x2, s2;
	s2 =	smul.u32 $0x140000, s2  }
0x9: {  	_ =	strace $0x80000047;
	s5 =	smul.u32 $0x500, s5;
	s8 =	sshrl.u32 s29, $0x1  }
0xa: {  	s30 =	sshrl.u32 s7, $0x2;
	s15 =	sadd.s32 $0x4000, s14;
	s7 =	sor.u32 $0x1C02, s31  }
0xb: {  	s16 =	sadd.s32 $0x8000, s14;
	s17 =	sadd.s32 $0xC000, s14;
	s18 =	sadd.s32 $0x10000, s14  }
0xc: {  	s19 =	ssub.s32 s29, s8;
	s6 =	sadd.s32 s30, s3;
	s8 =	sadd.s32 s15, s3  }
0xd: {  	s9 =	sadd.s32 s16, s3;
	s10 =	sadd.s32 s17, s3;
	s11 =	sadd.s32 s18, s3  }
0xe: {  	s14 =	sadd.s32 s14, s2;
	s15 =	sadd.s32 s2, s15;
	s16 =	sadd.s32 s2, s16  }
0xf: {  	s17 =	sadd.s32 s2, s17;
	s2 =	sadd.s32 s2, s18;
	s13 =	sadd.s32 s5, s0  }
0x10: {  	s5 =	sadd.s32 $0x8C400, s0;
	s0 =	sadd.s32 $0x8CC00, s0;
	s14 =	sshrl.u32 s14, $0x3  }
0x11: {  	s15 =	sshrl.u32 s15, $0x3;
	s16 =	sshrl.u32 s16, $0x3;
	s17 =	sshrl.u32 s17, $0x3  }
0x12: {  	s2 =	sshrl.u32 s2, $0x3;
	s19 =	smax.u32 s19, $0x1;
	s12 =	sadd.s32 $0xD000, s13  }
0x13: {  	s13 =	sadd.s32 $0x3000, s13;
	s14 =	sadd.s32 s0, s14;
	s15 =	sadd.s32 s0, s15  }
0x14: {  	s16 =	sadd.s32 s0, s16;
	s17 =	sadd.s32 s0, s17;
	s18 =	sadd.s32 s0, s2  }
.LBB2_1:
0x15: {  	s26 =	sshrl.u32 s6, $0x3  }
0x16: {  	[spmem:s26], [sflag:s7] =	dma.local [hbm:s5], $0x800  }
0x17: {  	_ =	swait.ge [sflag:s20], $0x800  }
0x18: {  	[sflag:s20] =	ssyncset.done $0x0  }
0x19: {  	s28 =	sshrl.u32 s8, $0x3;
	[sflag:s20] =	ssyncadd.s32 $0xFFFFF800  }
0x1a: {  	[spmem:s28], [sflag:s7] =	dma.local [hbm:s5], $0x800  }
0x1b: {  	_ =	swait.ge [sflag:s20], $0x800  }
0x1c: {  	[sflag:s20] =	ssyncset.done $0x0  }
0x1d: {  	s29 =	sshrl.u32 s9, $0x3;
	[sflag:s20] =	ssyncadd.s32 $0xFFFFF800  }
0x1e: {  	[spmem:s29], [sflag:s7] =	dma.local [hbm:s5], $0x800  }
0x1f: {  	_ =	swait.ge [sflag:s20], $0x800  }
0x20: {  	[sflag:s20] =	ssyncset.done $0x0  }
0x21: {  	s30 =	sshrl.u32 s10, $0x3;
	[sflag:s20] =	ssyncadd.s32 $0xFFFFF800  }
0x22: {  	[spmem:s30], [sflag:s7] =	dma.local [hbm:s5], $0x800  }
0x23: {  	_ =	swait.ge [sflag:s20], $0x800  }
0x24: {  	[sflag:s20] =	ssyncset.done $0x0  }
0x25: {  	s31 =	sshrl.u32 s11, $0x3;
	[sflag:s20] =	ssyncadd.s32 $0xFFFFF800  }
0x26: {  	[spmem:s31], [sflag:s7] =	dma.local [hbm:s5], $0x800  }
0x27: {  	_ =	swait.ge [sflag:s20], $0x800  }
0x28: {  	[sflag:s20] =	ssyncset.done $0x0  }
0x29: {  	[sflag:s20] =	ssyncadd.s32 $0xFFFFF800  }
0x2a: {  	s0 =	simm.s32 $0x0;
	[bflag:$0x0] =	sbarrier.arrive $0xFFFF  }
0x2b: {  	[tilespmem:s0], [sflag:$0x2] =	stream.linear.gather [hbm4b:s12+s0], $0x2800, $0x38;
	[tilespmem:$0x1D000] =	vst v63  }
0x2c: {  	_ =	swait.ge [sflag:s20], $0x2800  }
0x2d: {  	[sflag:s20] =	ssyncset.done $0x0  }
0x2e: {  	s2 =	simm.s32 $0x2800;
	[sflag:s20] =	ssyncadd.s32 $0xFFFFD800  }
0x2f: {  	[tilespmem:s2], [sflag:$0x2] =	stream.linear.gather [hbm4b:s13+s0], $0x2800, $0x38;
	[tilespmem:$0x1D000] =	vst v63  }
0x30: {  	_ =	swait.ge [sflag:s20], $0x2800  }
0x31: {  	[sflag:s20] =	ssyncset.done $0x0  }
0x32: {  	s4 =	simm.s32 $0x0;
	[sflag:s20] =	ssyncadd.s32 $0xFFFFD800  }
0x33: {  	[tilespmem:s23], [sflag:$0x1] =	stream.indirect.gather [hbm4b:s1+s22], $0x80, s4, s22, $0xb8;
	[tilespmem:$0x1D000] =	vst v63  }
0x34: {  	_ =	swait.ge [sflag:s24], $0x4000  }
0x35: {  	[sflag:s24] =	ssyncset.done $0x0  }
0x36: {  	s21 =	simm.s32 $0x2800;
	[sflag:s24] =	ssyncadd.s32 $0xFFFFC000  }
0x37: {  	[spmem:s3] =	stream.indirect.scatter.add.f32 [tilespmem:s23], [sflag:$0x2], $0x80, s21, s22, $0xb8;
	[tilespmem:$0x1D000] =	vst v63  }
0x38: {  	_ =	swait.ge [sflag:s20], $0x4000  }
0x39: {  	s2 =	simm.s32 $0x200;
	s0 =	simm.s32 $0x400;
	[sflag:s20] =	ssyncset.done $0x0  }
.LBB2_2:
0x3a: {  	s21 =	sshra.s32 s2, $0x2  }
0x3b: {  	[sflag:s20] =	ssyncadd.s32 $0xFFFFC000;
	s2 =	smov.u32 s0;
	s4 =	sadd.s32 $0x200, s0  }
0x3c: {  	[tilespmem:s23], [sflag:$0x1] =	stream.indirect.gather [hbm4b:s1+s22], $0x80, s21, s22, $0xb8;
	[tilespmem:$0x1D000] =	vst v63  }
0x3d: {  	p0 =	sne.s32 s0, $0x9E00;
	_ =	swait.ge [sflag:s24], $0x4000  }
.Ltmp0:
0x3e: {  	[sflag:s24] =	ssyncset.done $0x0;
	(pc) =	sbr.rel @p0 .LBB2_2-.Ltmp0, $4  }
0x3f: {  	s0 =	sadd.s32 $0x2800, s21;
	[sflag:s24] =	ssyncadd.s32 $0xFFFFC000  }
0x40: {  	[spmem:s3] =	stream.indirect.scatter.add.f32 [tilespmem:s23], [sflag:$0x2], $0x80, s0, s22, $0xb8;
	[tilespmem:$0x1D000] =	vst v63  }
0x41: {  	_ =	swait.ge [sflag:s20], $0x4000  }
0x42: {  	s0 =	smov.u32 s4;
	[sflag:s20] =	ssyncset.done $0x0  }
0x43: {  	s0 =	sshra.s32 s2, $0x2;
	[sflag:s20] =	ssyncadd.s32 $0xFFFFC000  }
0x44: {  	[tilespmem:s23], [sflag:$0x1] =	stream.indirect.gather [hbm4b:s1+s22], $0x80, s0, s22, $0xb8;
	[tilespmem:$0x1D000] =	vst v63  }
0x45: {  	_ =	swait.ge [sflag:s24], $0x4000  }
0x46: {  	[sflag:s24] =	ssyncset.done $0x0  }
0x47: {  	s0 =	sadd.s32 $0x2800, s0;
	[sflag:s24] =	ssyncadd.s32 $0xFFFFC000  }
0x48: {  	[spmem:s3] =	stream.indirect.scatter.add.f32 [tilespmem:s23], [sflag:$0x2], $0x80, s0, s22, $0xb8;
	[tilespmem:$0x1D000] =	vst v63  }
0x49: {  	_ =	swait.ge [sflag:s20], $0x4000  }
0x4a: {  	[sflag:s20] =	ssyncset.done $0x0  }
0x4b: {  	[sflag:s20] =	ssyncadd.s32 $0xFFFFC000  }
0x4c: {  	[bflag:$0x0] =	sbarrier.arrive $0xFFFF  }
0x4d: {  	[hbm:s14], [sflag:s7] =	dma.local [spmem:s26], $0x800  }
0x4e: {  	_ =	swait.ge [sflag:s20], $0x800  }
0x4f: {  	[sflag:s20] =	ssyncset.done $0x0  }
0x50: {  	[sflag:s20] =	ssyncadd.s32 $0xFFFFF800  }
0x51: {  	[hbm:s15], [sflag:s7] =	dma.local [spmem:s28], $0x800  }
0x52: {  	_ =	swait.ge [sflag:s20], $0x800  }
0x53: {  	[sflag:s20] =	ssyncset.done $0x0  }
0x54: {  	[sflag:s20] =	ssyncadd.s32 $0xFFFFF800  }
0x55: {  	[hbm:s16], [sflag:s7] =	dma.local [spmem:s29], $0x800  }
0x56: {  	_ =	swait.ge [sflag:s20], $0x800  }
0x57: {  	[sflag:s20] =	ssyncset.done $0x0  }
0x58: {  	[sflag:s20] =	ssyncadd.s32 $0xFFFFF800  }
0x59: {  	[hbm:s17], [sflag:s7] =	dma.local [spmem:s30], $0x800  }
0x5a: {  	s25 =	sadd.s32 $0x1, s25;
	_ =	swait.ge [sflag:s20], $0x800  }
0x5b: {  	p0 =	sne.s32 s25, s19;
	[sflag:s20] =	ssyncset.done $0x0  }
.Ltmp1:
0x5c: {  	[sflag:s20] =	ssyncadd.s32 $0xFFFFF800;
	(pc) =	sbr.rel @p0 .LBB2_1-.Ltmp1, $4  }
0x5d: {  	[hbm:s18], [sflag:s7] =	dma.local [spmem:s31], $0x800  }
0x5e: {  	_ =	swait.ge [sflag:s20], $0x800  }
0x5f: {  	[sflag:s20] =	ssyncset.done $0x0  }
0x60: {  	[sflag:s20] =	ssyncadd.s32 $0xFFFFF800  }
0x61: {  	_ =	sfence.sel $0x180000  }
0x62: {  	[bflag:$0x0] =	sbarrier.arrive $0xFFFF  }
0x63: {  	_ =	strace $0x90000047  }
0x64: {  	s0 =	stileid.u32;
	[bflag:$0x2] =	sbarrier.arrive $0xFFFF  }
0x65: {  	p0 =	sne.s32 s0, $0x0;
	s0 =	rddreg [dreg:$0x3]  }
0x66: {  	s0 =	sadd.s32 @!p0 $0x100000, s0  }
0x67: {  	[sflag:s0] =	ssyncadd.tile.s32 @!p0 $0x1;
	_ =	shalt  }
.Lfunc_end2:
_tile_overlayer_lowered:
.L_overlay_start_2:
0x68: {  	(tag) =	ssettag $0x2  }
0x69: {  	s0 =	rddreg [dreg:$0x0];
	s2 =	stileid.u32  }
0x6a: {  	s1 =	rddreg [dreg:$0x1];
	p0 =	sne.s32 s2, $0x0  }
0x6b: {  	s3 =	rddreg [dreg:$0x2];
	[bflag:$0x3] =	sbarrier.arrive $0xFFFF;
	s2 =	simm.s32 @!p0 $0x1C02  }
0x6c: {  	[timem:s3], [sflag:s2] =	dma.local @!p0 [hbm:s0], s1  }
0x6d: {  	s0 =	simm.s32 @!p0 $0x2  }
0x6e: {  	_ =	swait.ge @!p0 [sflag:s0], s1  }
0x6f: {  	s1 =	ssub.s32 @!p0 $0x0, s1;
	[sflag:s0] =	ssyncset.done @!p0 $0x0  }
0x70: {  	[sflag:s0] =	ssyncadd.s32 @!p0 s1  }
0x71: {  	[bflag:$0x3] =	sbarrier.arrive $0xFFFF  }
0x72: {  	_ =	shalt  }

</sc_bundles>
